<compile_context>
chip_gen: v7x
topology: tpu7x:2x2x1
jax: 0.10.2.dev20260603
libtpu: 0.0.44.dev20260713+nightly
codegen_flags: <defaults>
</compile_context>

<pallas_src>
import functools

import jax
import jax.numpy as jnp
from jax import lax
from jax.experimental import pallas as pl
from jax.experimental.pallas import tpu as pltpu
from jax.experimental.pallas import tpu_sc as plsc

T = 1024
H = 2048
I = 2048
E = 8
JITTER_EPS = 0.01

BT = 128
NA = 2 * T
NPAD = ((NA + E * (BT - 1) + BT - 1) // BT) * BT
NB = NPAD // BT
BI = 512
NI = I // BI
BP = 512
BH = 1024

NC = 2
NS = 16


@functools.lru_cache(maxsize=None)
def _mesh():
    return plsc.VectorSubcoreMesh(core_axis_name="c", subcore_axis_name="s")


def _routing_body(scores_ref, p1_ref, p2_ref, m1_ref, m2_ref, be_ref):
    scores = scores_ref[...]
    col = lax.broadcasted_iota(jnp.int32, scores.shape, 1)
    ninf = jnp.float32(-jnp.inf)

    m1 = jnp.max(scores, axis=1, keepdims=True)
    ind1 = jnp.min(jnp.where(scores == m1, col, E), axis=1, keepdims=True)
    factor1 = jnp.maximum(jnp.abs(scores), m1)
    mask1 = ((m1 - scores) / factor1) > (2.0 * JITTER_EPS)
    mg1 = jnp.where(mask1, ninf, scores)
    e1 = jnp.exp(mg1 - m1)
    p1 = e1 / jnp.sum(e1, axis=1, keepdims=True)
    mult1 = jnp.sum(jnp.where(col == ind1, p1, 0.0), axis=1, keepdims=True)

    masked_scores = jnp.where(col == ind1, ninf, scores)
    m2 = jnp.max(masked_scores, axis=1, keepdims=True)
    ind2 = jnp.min(jnp.where(masked_scores == m2, col, E), axis=1,
                   keepdims=True)
    factor2 = jnp.maximum(jnp.abs(scores), m2)
    mask2 = ((m2 - scores) / factor2) > (2.0 * JITTER_EPS)
    mg2 = jnp.where(mask2, ninf, masked_scores)
    e2 = jnp.exp(mg2 - m2)
    p2 = e2 / jnp.sum(e2, axis=1, keepdims=True)
    mult2 = jnp.sum(jnp.where(col == ind2, p2, 0.0), axis=1, keepdims=True)

    m1_ref[...] = mult1
    m2_ref[...] = mult2

    oh1 = (col == ind1)
    oh2 = (col == ind2)
    ohs = (oh1.astype(jnp.bfloat16) + oh2.astype(jnp.bfloat16))

    counts = jnp.sum(oh1.astype(jnp.float32) + oh2.astype(jnp.float32),
                     axis=0, keepdims=True).astype(jnp.int32)
    padded = ((counts + BT - 1) >> 7) << 7
    r8 = lax.broadcasted_iota(jnp.int32, (E, E), 0)
    c8 = lax.broadcasted_iota(jnp.int32, (E, E), 1)
    ends = lax.dot_general(
        padded.astype(jnp.bfloat16),
        (r8 <= c8).astype(jnp.bfloat16),
        (((1,), (0,)), ((), ())),
        preferred_element_type=jnp.float32).astype(jnp.int32)
    starts = ends - padded

    row = lax.broadcasted_iota(jnp.int32, (T, T), 0)
    colT = lax.broadcasted_iota(jnp.int32, (T, T), 1)
    ltri = (colT < row).astype(jnp.bfloat16)
    excl = lax.dot_general(ltri, ohs, (((1,), (0,)), ((), ())),
                           preferred_element_type=jnp.float32)
    excl = excl.astype(jnp.int32)

    sel_start1 = jnp.sum(jnp.where(col == ind1, starts, 0), axis=1,
                         keepdims=True)
    sel_start2 = jnp.sum(jnp.where(col == ind2, starts, 0), axis=1,
                         keepdims=True)
    rank1 = jnp.sum(jnp.where(col == ind1, excl, 0), axis=1, keepdims=True)
    rank2 = jnp.sum(jnp.where(col == ind2, excl, 0), axis=1, keepdims=True)
    p1_ref[...] = sel_start1 + rank1
    p2_ref[...] = sel_start2 + rank2

    posb = lax.broadcasted_iota(jnp.int32, (32, E), 0) * BT
    endsb = jnp.broadcast_to(ends, (32, E))
    be = jnp.sum((posb >= endsb).astype(jnp.int32), axis=1, keepdims=True)
    be_ref[...] = jnp.minimum(be, E - 1)


def _routing(scores):
    return pl.pallas_call(
        _routing_body,
        out_shape=[
            jax.ShapeDtypeStruct((T, 1), jnp.int32),
            jax.ShapeDtypeStruct((T, 1), jnp.int32),
            jax.ShapeDtypeStruct((T, 1), jnp.float32),
            jax.ShapeDtypeStruct((T, 1), jnp.float32),
            jax.ShapeDtypeStruct((32, 1), jnp.int32),
        ],
    )(scores)


def _build_body(p1_ref, p2_ref, m1_ref, m2_ref, x_ref, xg_ref, wt_ref):
    s = pl.program_id(0)
    p1 = p1_ref[...]
    p2 = p2_ref[...]
    pblk = lax.broadcasted_iota(jnp.int32, (BP, T), 0) + s * BP
    hit1 = pblk == p1
    hit2 = pblk == p2
    perm = hit1.astype(jnp.bfloat16) + hit2.astype(jnp.bfloat16)
    xg_ref[...] = lax.dot_general(perm, x_ref[...],
                                  (((1,), (0,)), ((), ())),
                                  preferred_element_type=jnp.float32)
    wt_ref[...] = (jnp.sum(jnp.where(hit1, m1_ref[...], 0.0), axis=1,
                           keepdims=True)
                   + jnp.sum(jnp.where(hit2, m2_ref[...], 0.0), axis=1,
                             keepdims=True))


def _build(p1, p2, m1, m2, x):
    return pl.pallas_call(
        _build_body,
        grid=(NPAD // BP,),
        in_specs=[
            pl.BlockSpec((1, T), lambda s: (0, 0)),
            pl.BlockSpec((1, T), lambda s: (0, 0)),
            pl.BlockSpec((1, T), lambda s: (0, 0)),
            pl.BlockSpec((1, T), lambda s: (0, 0)),
            pl.BlockSpec((T, H), lambda s: (0, 0)),
        ],
        out_specs=[
            pl.BlockSpec((BP, H), lambda s: (s, 0)),
            pl.BlockSpec((BP, 1), lambda s: (s, 0)),
        ],
        out_shape=[
            jax.ShapeDtypeStruct((NPAD, H), jnp.float32),
            jax.ShapeDtypeStruct((NPAD, 1), jnp.float32),
        ],
        compiler_params=pltpu.CompilerParams(
            dimension_semantics=("arbitrary",)),
    )(p1, p2, m1, m2, x)


_ROWS_W = NPAD // (NC * NS)
_GCH = 32


@functools.lru_cache(maxsize=None)
def _gather_kernel():
    return pl.kernel(
        _gather_body, mesh=_mesh(),
        out_type=jax.ShapeDtypeStruct((NPAD, H), jnp.float32),
        scratch_types=[
            pltpu.VMEM((_GCH,), jnp.int32),
            pltpu.VMEM((_GCH, H), jnp.float32),
            pltpu.SemaphoreType.DMA,
        ],
    )


def _gather(x, tok):
    return _gather_kernel()(x, tok)


def _gather_body(x_hbm, tok_hbm, xg_hbm, idxv, rowsv, sem):
    wid = lax.axis_index("s") * NC + lax.axis_index("c")
    for c in range(_ROWS_W // _GCH):
        base = wid * _ROWS_W + c * _GCH
        pltpu.sync_copy(tok_hbm.at[pl.ds(base, _GCH)], idxv)
        pltpu.async_copy(x_hbm.at[idxv], rowsv, sem).wait()
        pltpu.sync_copy(rowsv, xg_hbm.at[pl.ds(base, _GCH)])


def _ffn_a_body(be_ref, xg_ref, w1_ref, w3_ref, act_ref):
    x = xg_ref[...]
    h1 = lax.dot_general(x, w1_ref[0], (((1,), (1,)), ((), ())),
                         preferred_element_type=jnp.float32)
    h3 = lax.dot_general(x, w3_ref[0], (((1,), (1,)), ((), ())),
                         preferred_element_type=jnp.float32)
    act_ref[...] = h1 * jax.nn.sigmoid(h1) * h3


def _ffn_a(be, xg, ws):
    spec = pltpu.PrefetchScalarGridSpec(
        num_scalar_prefetch=1,
        grid=(NI, NB),
        in_specs=[
            pl.BlockSpec((BT, H), lambda i, b, be: (b, 0)),
            pl.BlockSpec((1, BI, H), lambda i, b, be: (be[b], i, 0)),
            pl.BlockSpec((1, BI, H), lambda i, b, be: (be[b], i + NI, 0)),
        ],
        out_specs=pl.BlockSpec((BT, BI), lambda i, b, be: (b, i)),
    )
    return pl.pallas_call(
        _ffn_a_body,
        grid_spec=spec,
        out_shape=jax.ShapeDtypeStruct((NPAD, I), jnp.float32),
        compiler_params=pltpu.CompilerParams(
            dimension_semantics=("arbitrary", "arbitrary")),
    )(be, xg, ws, ws)


def _ffn_b_body(be_ref, act_ref, w2_ref, wt_ref, yg_ref):
    a = act_ref[...]
    y = lax.dot_general(a, w2_ref[0], (((1,), (1,)), ((), ())),
                        preferred_element_type=jnp.float32)
    yg_ref[...] = y * wt_ref[...]


def _ffn_b(be, act, w2s, wtcol):
    spec = pltpu.PrefetchScalarGridSpec(
        num_scalar_prefetch=1,
        grid=(H // BH, NB),
        in_specs=[
            pl.BlockSpec((BT, I), lambda h, b, be: (b, 0)),
            pl.BlockSpec((1, BH, I), lambda h, b, be: (be[b], h, 0)),
            pl.BlockSpec((BT, 1), lambda h, b, be: (b, 0)),
        ],
        out_specs=pl.BlockSpec((BT, BH), lambda h, b, be: (b, h)),
    )
    return pl.pallas_call(
        _ffn_b_body,
        grid_spec=spec,
        out_shape=jax.ShapeDtypeStruct((NPAD, H), jnp.float32),
        compiler_params=pltpu.CompilerParams(
            dimension_semantics=("arbitrary", "arbitrary")),
    )(be, act, w2s, wtcol)


_TOK_W = T // (NC * NS)
_TCH = 16


@functools.lru_cache(maxsize=None)
def _combine_kernel():
    return pl.kernel(
        _combine_body, mesh=_mesh(),
        out_type=jax.ShapeDtypeStruct((T, H), jnp.float32),
        scratch_types=[
            pltpu.VMEM((2 * _TCH,), jnp.int32),
            pltpu.VMEM((2 * _TCH, H), jnp.float32),
            pltpu.VMEM((_TCH, H), jnp.float32),
            pltpu.SemaphoreType.DMA,
        ],
    )


def _combine(yg, inv):
    return _combine_kernel()(yg, inv)


def _combine_body(yg_hbm, inv_hbm, out_hbm, idxv, pairv, outv, sem):
    wid = lax.axis_index("s") * NC + lax.axis_index("c")
    for sub in range(_TOK_W // _TCH):
        tbase = wid * _TOK_W + sub * _TCH
        pltpu.sync_copy(inv_hbm.at[pl.ds(tbase * 2, 2 * _TCH)], idxv)
        pltpu.async_copy(yg_hbm.at[idxv], pairv, sem).wait()

        def add_body(s, carry):
            for j in range(_TCH):
                outv[j, pl.ds(s * 16, 16)] = (
                    pairv[2 * j, pl.ds(s * 16, 16)]
                    + pairv[2 * j + 1, pl.ds(s * 16, 16)])
            return carry
        lax.fori_loop(0, H // 16, add_body, 0)
        pltpu.sync_copy(outv, out_hbm.at[pl.ds(tbase, _TCH)])


@jax.jit
def kernel(hidden_states, gate_weight, ws, w2s):
    x = hidden_states
    scores = x @ gate_weight.T
    pos1, pos2, m1, m2, be = _routing(scores)
    xg, wt_sorted = _build(pos1.reshape(1, T), pos2.reshape(1, T),
                           m1.reshape(1, T), m2.reshape(1, T), x)
    inv = jnp.concatenate([pos1, pos2], axis=1).reshape(NA)
    act = _ffn_a(be.reshape(32), xg, ws)
    yg = _ffn_b(be.reshape(32), act, w2s, wt_sorted)
    return _combine(yg, inv)

# --- scband reference (transcript-rebuilt; emitter-appended) ---
"""Pipeline reference for scband-phi-mo-edecoder-layer-7516192768999 (READ-ONLY COPY).

The authoritative reference and input builder live on the scoring server;
editing this copy changes nothing except your own understanding.
"""

import jax, jax.numpy as jnp
import numpy as np

T = 1024
H = 2048
I = 2048
E = 8
JITTER_EPS = 0.01


def setup_inputs(seed: int = 0) -> dict:
    key = jax.random.key(seed)
    k1, k2, k3, k4 = jax.random.split(key, 4)
    return {
        "hidden_states": jax.random.normal(k1, (T, H), dtype=jnp.float32),
        "gate_weight": jax.random.normal(k2, (E, H), dtype=jnp.float32) * 0.02,
        "ws": jax.random.normal(k3, (E, 2 * I, H), dtype=jnp.float32) * 0.02,
        "w2s": jax.random.normal(k4, (E, H, I), dtype=jnp.float32) * 0.02,
    }


def _sparsemixer(scores, jitter_eps=JITTER_EPS):
    # ---- top-1 expert (mirrors torch sparsemixer, inference path) ----
    m1 = jnp.max(scores, axis=-1, keepdims=True)
    ind1 = jnp.argmax(scores, axis=-1)[:, None]
    factor1 = jnp.maximum(jnp.abs(scores), m1)  # scores.abs().clamp(min=m1)
    mask1 = jax.lax.stop_gradient(((m1 - scores) / factor1) > (2.0 * jitter_eps))
    mg1 = jnp.where(mask1, -jnp.inf, scores)
    mg1 = jax.nn.softmax(mg1, axis=-1)
    mult1 = jnp.take_along_axis(mg1, ind1, axis=-1)
    # ---- mask out top-1, pick top-2 ----
    onehot1 = jax.nn.one_hot(ind1[:, 0], scores.shape[-1], dtype=bool)
    masked_scores = jnp.where(onehot1, -jnp.inf, scores)
    m2 = jnp.max(masked_scores, axis=-1, keepdims=True)
    ind2 = jnp.argmax(masked_scores, axis=-1)[:, None]
    factor2 = jnp.maximum(jnp.abs(scores), m2)
    mask2 = jax.lax.stop_gradient(((m2 - scores) / factor2) > (2.0 * jitter_eps))
    mg2 = jnp.where(mask2, -jnp.inf, masked_scores)
    mg2 = jax.nn.softmax(mg2, axis=-1)
    mult2 = jnp.take_along_axis(mg2, ind2, axis=-1)
    multiplier = jnp.concatenate([mult1, mult2], axis=-1)
    selected = jnp.concatenate([ind1, ind2], axis=-1)
    return multiplier, selected


def reference(hidden_states, gate_weight, ws, w2s):
    x = hidden_states  # [T, H]
    router_logits = x @ gate_weight.T  # ReplicatedLinear gate, no bias -> [T, E]
    multiplier, selected = _sparsemixer(router_logits)
    n_tok = x.shape[0]
    n_exp = ws.shape[0]
    inter = ws.shape[1] // 2
    rows = jnp.arange(n_tok)
    # combine weights [T, E]; renormalize=False as in fused_moe call
    combine = jnp.zeros((n_tok, n_exp), dtype=x.dtype)
    combine = combine.at[rows, selected[:, 0]].add(multiplier[:, 0])
    combine = combine.at[rows, selected[:, 1]].add(multiplier[:, 1])
    out = jnp.zeros_like(x)
    for e in range(n_exp):
        h = x @ ws[e].T  # [T, 2I] -> fused w1|w3
        act = jax.nn.silu(h[:, :inter]) * h[:, inter:]  # SwiGLU
        out = out + combine[:, e:e + 1] * (act @ w2s[e].T)
    return out

if __name__ == "__main__":
    import jax
    _d = setup_inputs()
    print(jax.jit(kernel)(*tuple(_d.values())))

</pallas_src>

<mosaic_0001>
#map = affine_map<(d0, d1) -> (0, 0)>
#map1 = affine_map<(d0, d1) -> (0)>
module attributes {stable_mosaic.version = 14 : i64} {
  func.func @_combine_body(%arg0: i32, %arg1: i32, %arg2: memref<3072x2048xf32, #tpu.memory_space<hbm>>, %arg3: memref<2048xi32, #tpu.memory_space<hbm>>, %arg4: memref<1024x2048xf32, #tpu.memory_space<hbm>>, %arg5: memref<32xi32, #tpu.memory_space<vmem>>, %arg6: memref<32x2048xf32, #tpu.memory_space<vmem>>, %arg7: memref<16x2048xf32, #tpu.memory_space<vmem>>, %arg8: memref<!tpu.dma_semaphore, #tpu.memory_space<semaphore_mem>>) attributes {dimension_semantics = [#tpu.dimension_semantics<core_parallel>, #tpu.dimension_semantics<subcore_parallel>], iteration_bounds = array<i64: 2, 16>, scalar_prefetch = 0 : i64, scratch_operands = 4 : i64, tpu.core_type = #tpu.core_type<sc_vector_subcore>, window_params = [{transform_indices = #map}, {transform_indices = #map1}, {transform_indices = #map}]} {
    %mul3A = arith.constant 2 : i32
    %mul3A_0 = arith.muli %arg1, %mul3A : i32
    %add3A = arith.addi %mul3A_0, %arg0 : i32
    %mul3A_1 = arith.constant 32 : i32
    %mul3A_2 = arith.muli %add3A, %mul3A_1 : i32
    %add3A_3 = arith.constant 0 : i32
    %add3A_4 = arith.addi %mul3A_2, %add3A_3 : i32
    %mul3A_5 = arith.constant 2 : i32
    %mul3A_6 = arith.muli %add3A_4, %mul3A_5 : i32
    "tpu.region"() ({
      %run_scoped3A = tpu.sem_alloc : memref<!tpu.dma_semaphore, #tpu.memory_space<semaphore_mem>>
      %dma_start3A_34 = tpu.memref_slice %arg3[%mul3A_6] : memref<2048xi32, #tpu.memory_space<hbm>> -> memref<32xi32, #tpu.memory_space<hbm>>
      %dma_start3A_35 = tpu.memref_slice %arg3[%mul3A_6] : memref<2048xi32, #tpu.memory_space<hbm>> -> memref<32xi32, #tpu.memory_space<hbm>>
      tpu.enqueue_dma source(%dma_start3A_35 : memref<32xi32, #tpu.memory_space<hbm>>) target(%arg5 : memref<32xi32, #tpu.memory_space<vmem>>) target_semaphore(%run_scoped3A : memref<!tpu.dma_semaphore, #tpu.memory_space<semaphore_mem>>)
      %dma_wait3A_36 = tpu.memref_slice %arg3[%mul3A_6] : memref<2048xi32, #tpu.memory_space<hbm>> -> memref<32xi32, #tpu.memory_space<hbm>>
      %dma_wait3A_37 = tpu.memref_slice %arg3[%mul3A_6] : memref<2048xi32, #tpu.memory_space<hbm>> -> memref<32xi32, #tpu.memory_space<hbm>>
      tpu.wait_dma2 semaphore(%run_scoped3A : memref<!tpu.dma_semaphore, #tpu.memory_space<semaphore_mem>>) src(%dma_wait3A_37 : memref<32xi32, #tpu.memory_space<hbm>>) dst(%arg5 : memref<32xi32, #tpu.memory_space<vmem>>)
      tpu.yield
    }) : () -> ()
    %dma_start3A = arith.constant 0 : i32
    %dma_start3A_7 = arith.constant 0 : i32
    %dma_start3A_8 = tpu.memref_slice %arg2[%dma_start3A, %dma_start3A_7] : memref<3072x2048xf32, #tpu.memory_space<hbm>> -> memref<3072x2048xf32, #tpu.memory_space<hbm>>
    tpu.enqueue_indirect_dma source(%dma_start3A_8 : memref<3072x2048xf32, #tpu.memory_space<hbm>>) target(%arg6 : memref<32x2048xf32, #tpu.memory_space<vmem>>) offsets(%arg5 : memref<32xi32, #tpu.memory_space<vmem>>) semaphore(%arg8 : memref<!tpu.dma_semaphore, #tpu.memory_space<semaphore_mem>>)
    %dma_wait3A = arith.constant 0 : i32
    %dma_wait3A_9 = arith.constant 0 : i32
    %dma_wait3A_10 = tpu.memref_slice %arg2[%dma_wait3A, %dma_wait3A_9] : memref<3072x2048xf32, #tpu.memory_space<hbm>> -> memref<3072x2048xf32, #tpu.memory_space<hbm>>
    tpu.wait_indirect_dma semaphore(%arg8 : memref<!tpu.dma_semaphore, #tpu.memory_space<semaphore_mem>>) src(%dma_wait3A_10 : memref<3072x2048xf32, #tpu.memory_space<hbm>>) dst(%arg6 : memref<32x2048xf32, #tpu.memory_space<vmem>>)
    %scan3A = arith.constant 0 : i32
    %scan3A_11 = arith.constant 0 : i32
    %scan3A_12 = arith.constant 128 : i32
    %scan3A_13 = arith.addi %scan3A_11, %scan3A_12 : i32
    %scan3A_14 = arith.constant 1 : i32
    scf.for %scan3A_34 = %scan3A_11 to %scan3A_13 step %scan3A_14  : i32 {
      %mul3A_35 = arith.constant 16 : i32
      %mul3A_36 = arith.muli %scan3A_34, %mul3A_35 : i32
      %get3A = arith.constant 0 : i32
      %get3A_37 = arith.index_cast %get3A : i32 to index
      %get3A_38 = arith.index_cast %mul3A_36 : i32 to index
      %get3A_39 = tpu.vector_load %arg6[%get3A_37, %get3A_38] {strides = array<i32>} : memref<32x2048xf32, #tpu.memory_space<vmem>>, vector<1x16xf32>,
      %get3A_40 = vector.shape_cast %get3A_39 : vector<1x16xf32> to vector<16xf32>
      %mul3A_41 = arith.constant 16 : i32
      %mul3A_42 = arith.muli %scan3A_34, %mul3A_41 : i32
      %get3A_43 = arith.constant 1 : i32
      %get3A_44 = arith.index_cast %get3A_43 : i32 to index
      %get3A_45 = arith.index_cast %mul3A_42 : i32 to index
      %get3A_46 = tpu.vector_load %arg6[%get3A_44, %get3A_45] {strides = array<i32>} : memref<32x2048xf32, #tpu.memory_space<vmem>>, vector<1x16xf32>,
      %get3A_47 = vector.shape_cast %get3A_46 : vector<1x16xf32> to vector<16xf32>
      %add3A_48 = arith.addf %get3A_40, %get3A_47 : vector<16xf32>
      %mul3A_49 = arith.constant 16 : i32
      %mul3A_50 = arith.muli %scan3A_34, %mul3A_49 : i32
      %swap3A = arith.constant 0 : i32
      %swap3A_51 = arith.index_cast %swap3A : i32 to index
      %swap3A_52 = arith.index_cast %mul3A_50 : i32 to index
      %swap3A_53 = tpu.vector_load %arg7[%swap3A_51, %swap3A_52] {strides = array<i32>} : memref<16x2048xf32, #tpu.memory_space<vmem>>, vector<1x16xf32>,
      %swap3A_54 = vector.shape_cast %swap3A_53 : vector<1x16xf32> to vector<16xf32>
      %swap3A_55 = vector.shape_cast %add3A_48 : vector<16xf32> to vector<1x16xf32>
      tpu.vector_store %arg7[%swap3A_51, %swap3A_52], %swap3A_55 {strides = array<i32>} : memref<16x2048xf32, #tpu.memory_space<vmem>>, vector<1x16xf32>,
      %mul3A_56 = arith.constant 16 : i32
      %mul3A_57 = arith.muli %scan3A_34, %mul3A_56 : i32
      %get3A_58 = arith.constant 2 : i32
      %get3A_59 = arith.index_cast %get3A_58 : i32 to index
      %get3A_60 = arith.index_cast %mul3A_57 : i32 to index
      %get3A_61 = tpu.vector_load %arg6[%get3A_59, %get3A_60] {strides = array<i32>} : memref<32x2048xf32, #tpu.memory_space<vmem>>, vector<1x16xf32>,
      %get3A_62 = vector.shape_cast %get3A_61 : vector<1x16xf32> to vector<16xf32>
      %mul3A_63 = arith.constant 16 : i32
      %mul3A_64 = arith.muli %scan3A_34, %mul3A_63 : i32
      %get3A_65 = arith.constant 3 : i32
      %get3A_66 = arith.index_cast %get3A_65 : i32 to index
      %get3A_67 = arith.index_cast %mul3A_64 : i32 to index
      %get3A_68 = tpu.vector_load %arg6[%get3A_66, %get3A_67] {strides = array<i32>} : memref<32x2048xf32, #tpu.memory_space<vmem>>, vector<1x16xf32>,
      %get3A_69 = vector.shape_cast %get3A_68 : vector<1x16xf32> to vector<16xf32>
      %add3A_70 = arith.addf %get3A_62, %get3A_69 : vector<16xf32>
      %mul3A_71 = arith.constant 16 : i32
      %mul3A_72 = arith.muli %scan3A_34, %mul3A_71 : i32
      %swap3A_73 = arith.constant 1 : i32
      %swap3A_74 = arith.index_cast %swap3A_73 : i32 to index
      %swap3A_75 = arith.index_cast %mul3A_72 : i32 to index
      %swap3A_76 = tpu.vector_load %arg7[%swap3A_74, %swap3A_75] {strides = array<i32>} : memref<16x2048xf32, #tpu.memory_space<vmem>>, vector<1x16xf32>,
      %swap3A_77 = vector.shape_cast %swap3A_76 : vector<1x16xf32> to vector<16xf32>
      %swap3A_78 = vector.shape_cast %add3A_70 : vector<16xf32> to vector<1x16xf32>
      tpu.vector_store %arg7[%swap3A_74, %swap3A_75], %swap3A_78 {strides = array<i32>} : memref<16x2048xf32, #tpu.memory_space<vmem>>, vector<1x16xf32>,
      %mul3A_79 = arith.constant 16 : i32
      %mul3A_80 = arith.muli %scan3A_34, %mul3A_79 : i32
      %get3A_81 = arith.constant 4 : i32
      %get3A_82 = arith.index_cast %get3A_81 : i32 to index
      %get3A_83 = arith.index_cast %mul3A_80 : i32 to index
      %get3A_84 = tpu.vector_load %arg6[%get3A_82, %get3A_83] {strides = array<i32>} : memref<32x2048xf32, #tpu.memory_space<vmem>>, vector<1x16xf32>,
      %get3A_85 = vector.shape_cast %get3A_84 : vector<1x16xf32> to vector<16xf32>
      %mul3A_86 = arith.constant 16 : i32
      %mul3A_87 = arith.muli %scan3A_34, %mul3A_86 : i32
      %get3A_88 = arith.constant 5 : i32
      %get3A_89 = arith.index_cast %get3A_88 : i32 to index
      %get3A_90 = arith.index_cast %mul3A_87 : i32 to index
      %get3A_91 = tpu.vector_load %arg6[%get3A_89, %get3A_90] {strides = array<i32>} : memref<32x2048xf32, #tpu.memory_space<vmem>>, vector<1x16xf32>,
      %get3A_92 = vector.shape_cast %get3A_91 : vector<1x16xf32> to vector<16xf32>
      %add3A_93 = arith.addf %get3A_85, %get3A_92 : vector<16xf32>
      %mul3A_94 = arith.constant 16 : i32
      %mul3A_95 = arith.muli %scan3A_34, %mul3A_94 : i32
      %swap3A_96 = arith.constant 2 : i32
      %swap3A_97 = arith.index_cast %swap3A_96 : i32 to index
      %swap3A_98 = arith.index_cast %mul3A_95 : i32 to index
      %swap3A_99 = tpu.vector_load %arg7[%swap3A_97, %swap3A_98] {strides = array<i32>} : memref<16x2048xf32, #tpu.memory_space<vmem>>, vector<1x16xf32>,
      %swap3A_100 = vector.shape_cast %swap3A_99 : vector<1x16xf32> to vector<16xf32>
      %swap3A_101 = vector.shape_cast %add3A_93 : vector<16xf32> to vector<1x16xf32>
      tpu.vector_store %arg7[%swap3A_97, %swap3A_98], %swap3A_101 {strides = array<i32>} : memref<16x2048xf32, #tpu.memory_space<vmem>>, vector<1x16xf32>,
      %mul3A_102 = arith.constant 16 : i32
      %mul3A_103 = arith.muli %scan3A_34, %mul3A_102 : i32
      %get3A_104 = arith.constant 6 : i32
      %get3A_105 = arith.index_cast %get3A_104 : i32 to index
      %get3A_106 = arith.index_cast %mul3A_103 : i32 to index
      %get3A_107 = tpu.vector_load %arg6[%get3A_105, %get3A_106] {strides = array<i32>} : memref<32x2048xf32, #tpu.memory_space<vmem>>, vector<1x16xf32>,
      %get3A_108 = vector.shape_cast %get3A_107 : vector<1x16xf32> to vector<16xf32>
      %mul3A_109 = arith.constant 16 : i32
      %mul3A_110 = arith.muli %scan3A_34, %mul3A_109 : i32
      %get3A_111 = arith.constant 7 : i32
      %get3A_112 = arith.index_cast %get3A_111 : i32 to index
      %get3A_113 = arith.index_cast %mul3A_110 : i32 to index
      %get3A_114 = tpu.vector_load %arg6[%get3A_112, %get3A_113] {strides = array<i32>} : memref<32x2048xf32, #tpu.memory_space<vmem>>, vector<1x16xf32>,
      %get3A_115 = vector.shape_cast %get3A_114 : vector<1x16xf32> to vector<16xf32>
      %add3A_116 = arith.addf %get3A_108, %get3A_115 : vector<16xf32>
      %mul3A_117 = arith.constant 16 : i32
      %mul3A_118 = arith.muli %scan3A_34, %mul3A_117 : i32
      %swap3A_119 = arith.constant 3 : i32
      %swap3A_120 = arith.index_cast %swap3A_119 : i32 to index
      %swap3A_121 = arith.index_cast %mul3A_118 : i32 to index
      %swap3A_122 = tpu.vector_load %arg7[%swap3A_120, %swap3A_121] {strides = array<i32>} : memref<16x2048xf32, #tpu.memory_space<vmem>>, vector<1x16xf32>,
      %swap3A_123 = vector.shape_cast %swap3A_122 : vector<1x16xf32> to vector<16xf32>
      %swap3A_124 = vector.shape_cast %add3A_116 : vector<16xf32> to vector<1x16xf32>
      tpu.vector_store %arg7[%swap3A_120, %swap3A_121], %swap3A_124 {strides = array<i32>} : memref<16x2048xf32, #tpu.memory_space<vmem>>, vector<1x16xf32>,
      %mul3A_125 = arith.constant 16 : i32
      %mul3A_126 = arith.muli %scan3A_34, %mul3A_125 : i32
      %get3A_127 = arith.constant 8 : i32
      %get3A_128 = arith.index_cast %get3A_127 : i32 to index
      %get3A_129 = arith.index_cast %mul3A_126 : i32 to index
      %get3A_130 = tpu.vector_load %arg6[%get3A_128, %get3A_129] {strides = array<i32>} : memref<32x2048xf32, #tpu.memory_space<vmem>>, vector<1x16xf32>,
      %get3A_131 = vector.shape_cast %get3A_130 : vector<1x16xf32> to vector<16xf32>
      %mul3A_132 = arith.constant 16 : i32
      %mul3A_133 = arith.muli %scan3A_34, %mul3A_132 : i32
      %get3A_134 = arith.constant 9 : i32
      %get3A_135 = arith.index_cast %get3A_134 : i32 to index
      %get3A_136 = arith.index_cast %mul3A_133 : i32 to index
      %get3A_137 = tpu.vector_load %arg6[%get3A_135, %get3A_136] {strides = array<i32>} : memref<32x2048xf32, #tpu.memory_space<vmem>>, vector<1x16xf32>,
      %get3A_138 = vector.shape_cast %get3A_137 : vector<1x16xf32> to vector<16xf32>
      %add3A_139 = arith.addf %get3A_131, %get3A_138 : vector<16xf32>
      %mul3A_140 = arith.constant 16 : i32
      %mul3A_141 = arith.muli %scan3A_34, %mul3A_140 : i32
      %swap3A_142 = arith.constant 4 : i32
      %swap3A_143 = arith.index_cast %swap3A_142 : i32 to index
      %swap3A_144 = arith.index_cast %mul3A_141 : i32 to index
      %swap3A_145 = tpu.vector_load %arg7[%swap3A_143, %swap3A_144] {strides = array<i32>} : memref<16x2048xf32, #tpu.memory_space<vmem>>, vector<1x16xf32>,
      %swap3A_146 = vector.shape_cast %swap3A_145 : vector<1x16xf32> to vector<16xf32>
      %swap3A_147 = vector.shape_cast %add3A_139 : vector<16xf32> to vector<1x16xf32>
      tpu.vector_store %arg7[%swap3A_143, %swap3A_144], %swap3A_147 {strides = array<i32>} : memref<16x2048xf32, #tpu.memory_space<vmem>>, vector<1x16xf32>,
      %mul3A_148 = arith.constant 16 : i32
      %mul3A_149 = arith.muli %scan3A_34, %mul3A_148 : i32
      %get3A_150 = arith.constant 10 : i32
      %get3A_151 = arith.index_cast %get3A_150 : i32 to index
      %get3A_152 = arith.index_cast %mul3A_149 : i32 to index
      %get3A_153 = tpu.vector_load %arg6[%get3A_151, %get3A_152] {strides = array<i32>} : memref<32x2048xf32, #tpu.memory_space<vmem>>, vector<1x16xf32>,
      %get3A_154 = vector.shape_cast %get3A_153 : vector<1x16xf32> to vector<16xf32>
      %mul3A_155 = arith.constant 16 : i32
      %mul3A_156 = arith.muli %scan3A_34, %mul3A_155 : i32
      %get3A_157 = arith.constant 11 : i32
      %get3A_158 = arith.index_cast %get3A_157 : i32 to index
      %get3A_159 = arith.index_cast %mul3A_156 : i32 to index
      %get3A_160 = tpu.vector_load %arg6[%get3A_158, %get3A_159] {strides = array<i32>} : memref<32x2048xf32, #tpu.memory_space<vmem>>, vector<1x16xf32>,
      %get3A_161 = vector.shape_cast %get3A_160 : vector<1x16xf32> to vector<16xf32>
      %add3A_162 = arith.addf %get3A_154, %get3A_161 : vector<16xf32>
      %mul3A_163 = arith.constant 16 : i32
      %mul3A_164 = arith.muli %scan3A_34, %mul3A_163 : i32
      %swap3A_165 = arith.constant 5 : i32
      %swap3A_166 = arith.index_cast %swap3A_165 : i32 to index
      %swap3A_167 = arith.index_cast %mul3A_164 : i32 to index
      %swap3A_168 = tpu.vector_load %arg7[%swap3A_166, %swap3A_167] {strides = array<i32>} : memref<16x2048xf32, #tpu.memory_space<vmem>>, vector<1x16xf32>,
      %swap3A_169 = vector.shape_cast %swap3A_168 : vector<1x16xf32> to vector<16xf32>
      %swap3A_170 = vector.shape_cast %add3A_162 : vector<16xf32> to vector<1x16xf32>
      tpu.vector_store %arg7[%swap3A_166, %swap3A_167], %swap3A_170 {strides = array<i32>} : memref<16x2048xf32, #tpu.memory_space<vmem>>, vector<1x16xf32>,
      %mul3A_171 = arith.constant 16 : i32
      %mul3A_172 = arith.muli %scan3A_34, %mul3A_171 : i32
      %get3A_173 = arith.constant 12 : i32
      %get3A_174 = arith.index_cast %get3A_173 : i32 to index
      %get3A_175 = arith.index_cast %mul3A_172 : i32 to index
      %get3A_176 = tpu.vector_load %arg6[%get3A_174, %get3A_175] {strides = array<i32>} : memref<32x2048xf32, #tpu.memory_space<vmem>>, vector<1x16xf32>,
      %get3A_177 = vector.shape_cast %get3A_176 : vector<1x16xf32> to vector<16xf32>
      %mul3A_178 = arith.constant 16 : i32
      %mul3A_179 = arith.muli %scan3A_34, %mul3A_178 : i32
      %get3A_180 = arith.constant 13 : i32
      %get3A_181 = arith.index_cast %get3A_180 : i32 to index
      %get3A_182 = arith.index_cast %mul3A_179 : i32 to index
      %get3A_183 = tpu.vector_load %arg6[%get3A_181, %get3A_182] {strides = array<i32>} : memref<32x2048xf32, #tpu.memory_space<vmem>>, vector<1x16xf32>,
      %get3A_184 = vector.shape_cast %get3A_183 : vector<1x16xf32> to vector<16xf32>
      %add3A_185 = arith.addf %get3A_177, %get3A_184 : vector<16xf32>
      %mul3A_186 = arith.constant 16 : i32
      %mul3A_187 = arith.muli %scan3A_34, %mul3A_186 : i32
      %swap3A_188 = arith.constant 6 : i32
      %swap3A_189 = arith.index_cast %swap3A_188 : i32 to index
      %swap3A_190 = arith.index_cast %mul3A_187 : i32 to index
      %swap3A_191 = tpu.vector_load %arg7[%swap3A_189, %swap3A_190] {strides = array<i32>} : memref<16x2048xf32, #tpu.memory_space<vmem>>, vector<1x16xf32>,
      %swap3A_192 = vector.shape_cast %swap3A_191 : vector<1x16xf32> to vector<16xf32>
      %swap3A_193 = vector.shape_cast %add3A_185 : vector<16xf32> to vector<1x16xf32>
      tpu.vector_store %arg7[%swap3A_189, %swap3A_190], %swap3A_193 {strides = array<i32>} : memref<16x2048xf32, #tpu.memory_space<vmem>>, vector<1x16xf32>,
      %mul3A_194 = arith.constant 16 : i32
      %mul3A_195 = arith.muli %scan3A_34, %mul3A_194 : i32
      %get3A_196 = arith.constant 14 : i32
      %get3A_197 = arith.index_cast %get3A_196 : i32 to index
      %get3A_198 = arith.index_cast %mul3A_195 : i32 to index
      %get3A_199 = tpu.vector_load %arg6[%get3A_197, %get3A_198] {strides = array<i32>} : memref<32x2048xf32, #tpu.memory_space<vmem>>, vector<1x16xf32>,
      %get3A_200 = vector.shape_cast %get3A_199 : vector<1x16xf32> to vector<16xf32>
      %mul3A_201 = arith.constant 16 : i32
      %mul3A_202 = arith.muli %scan3A_34, %mul3A_201 : i32
      %get3A_203 = arith.constant 15 : i32
      %get3A_204 = arith.index_cast %get3A_203 : i32 to index
      %get3A_205 = arith.index_cast %mul3A_202 : i32 to index
      %get3A_206 = tpu.vector_load %arg6[%get3A_204, %get3A_205] {strides = array<i32>} : memref<32x2048xf32, #tpu.memory_space<vmem>>, vector<1x16xf32>,
      %get3A_207 = vector.shape_cast %get3A_206 : vector<1x16xf32> to vector<16xf32>
      %add3A_208 = arith.addf %get3A_200, %get3A_207 : vector<16xf32>
      %mul3A_209 = arith.constant 16 : i32
      %mul3A_210 = arith.muli %scan3A_34, %mul3A_209 : i32
      %swap3A_211 = arith.constant 7 : i32
      %swap3A_212 = arith.index_cast %swap3A_211 : i32 to index
      %swap3A_213 = arith.index_cast %mul3A_210 : i32 to index
      %swap3A_214 = tpu.vector_load %arg7[%swap3A_212, %swap3A_213] {strides = array<i32>} : memref<16x2048xf32, #tpu.memory_space<vmem>>, vector<1x16xf32>,
      %swap3A_215 = vector.shape_cast %swap3A_214 : vector<1x16xf32> to vector<16xf32>
      %swap3A_216 = vector.shape_cast %add3A_208 : vector<16xf32> to vector<1x16xf32>
      tpu.vector_store %arg7[%swap3A_212, %swap3A_213], %swap3A_216 {strides = array<i32>} : memref<16x2048xf32, #tpu.memory_space<vmem>>, vector<1x16xf32>,
      %mul3A_217 = arith.constant 16 : i32
      %mul3A_218 = arith.muli %scan3A_34, %mul3A_217 : i32
      %get3A_219 = arith.constant 16 : i32
      %get3A_220 = arith.index_cast %get3A_219 : i32 to index
      %get3A_221 = arith.index_cast %mul3A_218 : i32 to index
      %get3A_222 = tpu.vector_load %arg6[%get3A_220, %get3A_221] {strides = array<i32>} : memref<32x2048xf32, #tpu.memory_space<vmem>>, vector<1x16xf32>,
      %get3A_223 = vector.shape_cast %get3A_222 : vector<1x16xf32> to vector<16xf32>
      %mul3A_224 = arith.constant 16 : i32
      %mul3A_225 = arith.muli %scan3A_34, %mul3A_224 : i32
      %get3A_226 = arith.constant 17 : i32
      %get3A_227 = arith.index_cast %get3A_226 : i32 to index
      %get3A_228 = arith.index_cast %mul3A_225 : i32 to index
      %get3A_229 = tpu.vector_load %arg6[%get3A_227, %get3A_228] {strides = array<i32>} : memref<32x2048xf32, #tpu.memory_space<vmem>>, vector<1x16xf32>,
      %get3A_230 = vector.shape_cast %get3A_229 : vector<1x16xf32> to vector<16xf32>
      %add3A_231 = arith.addf %get3A_223, %get3A_230 : vector<16xf32>
      %mul3A_232 = arith.constant 16 : i32
      %mul3A_233 = arith.muli %scan3A_34, %mul3A_232 : i32
      %swap3A_234 = arith.constant 8 : i32
      %swap3A_235 = arith.index_cast %swap3A_234 : i32 to index
      %swap3A_236 = arith.index_cast %mul3A_233 : i32 to index
      %swap3A_237 = tpu.vector_load %arg7[%swap3A_235, %swap3A_236] {strides = array<i32>} : memref<16x2048xf32, #tpu.memory_space<vmem>>, vector<1x16xf32>,
      %swap3A_238 = vector.shape_cast %swap3A_237 : vector<1x16xf32> to vector<16xf32>
      %swap3A_239 = vector.shape_cast %add3A_231 : vector<16xf32> to vector<1x16xf32>
      tpu.vector_store %arg7[%swap3A_235, %swap3A_236], %swap3A_239 {strides = array<i32>} : memref<16x2048xf32, #tpu.memory_space<vmem>>, vector<1x16xf32>,
      %mul3A_240 = arith.constant 16 : i32
      %mul3A_241 = arith.muli %scan3A_34, %mul3A_240 : i32
      %get3A_242 = arith.constant 18 : i32
      %get3A_243 = arith.index_cast %get3A_242 : i32 to index
      %get3A_244 = arith.index_cast %mul3A_241 : i32 to index
      %get3A_245 = tpu.vector_load %arg6[%get3A_243, %get3A_244] {strides = array<i32>} : memref<32x2048xf32, #tpu.memory_space<vmem>>, vector<1x16xf32>,
      %get3A_246 = vector.shape_cast %get3A_245 : vector<1x16xf32> to vector<16xf32>
      %mul3A_247 = arith.constant 16 : i32
      %mul3A_248 = arith.muli %scan3A_34, %mul3A_247 : i32
      %get3A_249 = arith.constant 19 : i32
      %get3A_250 = arith.index_cast %get3A_249 : i32 to index
      %get3A_251 = arith.index_cast %mul3A_248 : i32 to index
      %get3A_252 = tpu.vector_load %arg6[%get3A_250, %get3A_251] {strides = array<i32>} : memref<32x2048xf32, #tpu.memory_space<vmem>>, vector<1x16xf32>,
      %get3A_253 = vector.shape_cast %get3A_252 : vector<1x16xf32> to vector<16xf32>
      %add3A_254 = arith.addf %get3A_246, %get3A_253 : vector<16xf32>
      %mul3A_255 = arith.constant 16 : i32
      %mul3A_256 = arith.muli %scan3A_34, %mul3A_255 : i32
      %swap3A_257 = arith.constant 9 : i32
      %swap3A_258 = arith.index_cast %swap3A_257 : i32 to index
      %swap3A_259 = arith.index_cast %mul3A_256 : i32 to index
      %swap3A_260 = tpu.vector_load %arg7[%swap3A_258, %swap3A_259] {strides = array<i32>} : memref<16x2048xf32, #tpu.memory_space<vmem>>, vector<1x16xf32>,
      %swap3A_261 = vector.shape_cast %swap3A_260 : vector<1x16xf32> to vector<16xf32>
      %swap3A_262 = vector.shape_cast %add3A_254 : vector<16xf32> to vector<1x16xf32>
      tpu.vector_store %arg7[%swap3A_258, %swap3A_259], %swap3A_262 {strides = array<i32>} : memref<16x2048xf32, #tpu.memory_space<vmem>>, vector<1x16xf32>,
      %mul3A_263 = arith.constant 16 : i32
      %mul3A_264 = arith.muli %scan3A_34, %mul3A_263 : i32
      %get3A_265 = arith.constant 20 : i32
      %get3A_266 = arith.index_cast %get3A_265 : i32 to index
      %get3A_267 = arith.index_cast %mul3A_264 : i32 to index
      %get3A_268 = tpu.vector_load %arg6[%get3A_266, %get3A_267] {strides = array<i32>} : memref<32x2048xf32, #tpu.memory_space<vmem>>, vector<1x16xf32>,
      %get3A_269 = vector.shape_cast %get3A_268 : vector<1x16xf32> to vector<16xf32>
      %mul3A_270 = arith.constant 16 : i32
      %mul3A_271 = arith.muli %scan3A_34, %mul3A_270 : i32
      %get3A_272 = arith.constant 21 : i32
      %get3A_273 = arith.index_cast %get3A_272 : i32 to index
      %get3A_274 = arith.index_cast %mul3A_271 : i32 to index
      %get3A_275 = tpu.vector_load %arg6[%get3A_273, %get3A_274] {strides = array<i32>} : memref<32x2048xf32, #tpu.memory_space<vmem>>, vector<1x16xf32>,
      %get3A_276 = vector.shape_cast %get3A_275 : vector<1x16xf32> to vector<16xf32>
      %add3A_277 = arith.addf %get3A_269, %get3A_276 : vector<16xf32>
      %mul3A_278 = arith.constant 16 : i32
      %mul3A_279 = arith.muli %scan3A_34, %mul3A_278 : i32
      %swap3A_280 = arith.constant 10 : i32
      %swap3A_281 = arith.index_cast %swap3A_280 : i32 to index
      %swap3A_282 = arith.index_cast %mul3A_279 : i32 to index
      %swap3A_283 = tpu.vector_load %arg7[%swap3A_281, %swap3A_282] {strides = array<i32>} : memref<16x2048xf32, #tpu.memory_space<vmem>>, vector<1x16xf32>,
      %swap3A_284 = vector.shape_cast %swap3A_283 : vector<1x16xf32> to vector<16xf32>
      %swap3A_285 = vector.shape_cast %add3A_277 : vector<16xf32> to vector<1x16xf32>
      tpu.vector_store %arg7[%swap3A_281, %swap3A_282], %swap3A_285 {strides = array<i32>} : memref<16x2048xf32, #tpu.memory_space<vmem>>, vector<1x16xf32>,
      %mul3A_286 = arith.constant 16 : i32
      %mul3A_287 = arith.muli %scan3A_34, %mul3A_286 : i32
      %get3A_288 = arith.constant 22 : i32
      %get3A_289 = arith.index_cast %get3A_288 : i32 to index
      %get3A_290 = arith.index_cast %mul3A_287 : i32 to index
      %get3A_291 = tpu.vector_load %arg6[%get3A_289, %get3A_290] {strides = array<i32>} : memref<32x2048xf32, #tpu.memory_space<vmem>>, vector<1x16xf32>,
      %get3A_292 = vector.shape_cast %get3A_291 : vector<1x16xf32> to vector<16xf32>
      %mul3A_293 = arith.constant 16 : i32
      %mul3A_294 = arith.muli %scan3A_34, %mul3A_293 : i32
      %get3A_295 = arith.constant 23 : i32
      %get3A_296 = arith.index_cast %get3A_295 : i32 to index
      %get3A_297 = arith.index_cast %mul3A_294 : i32 to index
      %get3A_298 = tpu.vector_load %arg6[%get3A_296, %get3A_297] {strides = array<i32>} : memref<32x2048xf32, #tpu.memory_space<vmem>>, vector<1x16xf32>,
      %get3A_299 = vector.shape_cast %get3A_298 : vector<1x16xf32> to vector<16xf32>
      %add3A_300 = arith.addf %get3A_292, %get3A_299 : vector<16xf32>
      %mul3A_301 = arith.constant 16 : i32
      %mul3A_302 = arith.muli %scan3A_34, %mul3A_301 : i32
      %swap3A_303 = arith.constant 11 : i32
      %swap3A_304 = arith.index_cast %swap3A_303 : i32 to index
      %swap3A_305 = arith.index_cast %mul3A_302 : i32 to index
      %swap3A_306 = tpu.vector_load %arg7[%swap3A_304, %swap3A_305] {strides = array<i32>} : memref<16x2048xf32, #tpu.memory_space<vmem>>, vector<1x16xf32>,
      %swap3A_307 = vector.shape_cast %swap3A_306 : vector<1x16xf32> to vector<16xf32>
      %swap3A_308 = vector.shape_cast %add3A_300 : vector<16xf32> to vector<1x16xf32>
      tpu.vector_store %arg7[%swap3A_304, %swap3A_305], %swap3A_308 {strides = array<i32>} : memref<16x2048xf32, #tpu.memory_space<vmem>>, vector<1x16xf32>,
      %mul3A_309 = arith.constant 16 : i32
      %mul3A_310 = arith.muli %scan3A_34, %mul3A_309 : i32
      %get3A_311 = arith.constant 24 : i32
      %get3A_312 = arith.index_cast %get3A_311 : i32 to index
      %get3A_313 = arith.index_cast %mul3A_310 : i32 to index
      %get3A_314 = tpu.vector_load %arg6[%get3A_312, %get3A_313] {strides = array<i32>} : memref<32x2048xf32, #tpu.memory_space<vmem>>, vector<1x16xf32>,
      %get3A_315 = vector.shape_cast %get3A_314 : vector<1x16xf32> to vector<16xf32>
      %mul3A_316 = arith.constant 16 : i32
      %mul3A_317 = arith.muli %scan3A_34, %mul3A_316 : i32
      %get3A_318 = arith.constant 25 : i32
      %get3A_319 = arith.index_cast %get3A_318 : i32 to index
      %get3A_320 = arith.index_cast %mul3A_317 : i32 to index
      %get3A_321 = tpu.vector_load %arg6[%get3A_319, %get3A_320] {strides = array<i32>} : memref<32x2048xf32, #tpu.memory_space<vmem>>, vector<1x16xf32>,
      %get3A_322 = vector.shape_cast %get3A_321 : vector<1x16xf32> to vector<16xf32>
      %add3A_323 = arith.addf %get3A_315, %get3A_322 : vector<16xf32>
      %mul3A_324 = arith.constant 16 : i32
      %mul3A_325 = arith.muli %scan3A_34, %mul3A_324 : i32
      %swap3A_326 = arith.constant 12 : i32
      %swap3A_327 = arith.index_cast %swap3A_326 : i32 to index
      %swap3A_328 = arith.index_cast %mul3A_325 : i32 to index
      %swap3A_329 = tpu.vector_load %arg7[%swap3A_327, %swap3A_328] {strides = array<i32>} : memref<16x2048xf32, #tpu.memory_space<vmem>>, vector<1x16xf32>,
      %swap3A_330 = vector.shape_cast %swap3A_329 : vector<1x16xf32> to vector<16xf32>
      %swap3A_331 = vector.shape_cast %add3A_323 : vector<16xf32> to vector<1x16xf32>
      tpu.vector_store %arg7[%swap3A_327, %swap3A_328], %swap3A_331 {strides = array<i32>} : memref<16x2048xf32, #tpu.memory_space<vmem>>, vector<1x16xf32>,
      %mul3A_332 = arith.constant 16 : i32
      %mul3A_333 = arith.muli %scan3A_34, %mul3A_332 : i32
      %get3A_334 = arith.constant 26 : i32
      %get3A_335 = arith.index_cast %get3A_334 : i32 to index
      %get3A_336 = arith.index_cast %mul3A_333 : i32 to index
      %get3A_337 = tpu.vector_load %arg6[%get3A_335, %get3A_336] {strides = array<i32>} : memref<32x2048xf32, #tpu.memory_space<vmem>>, vector<1x16xf32>,
      %get3A_338 = vector.shape_cast %get3A_337 : vector<1x16xf32> to vector<16xf32>
      %mul3A_339 = arith.constant 16 : i32
      %mul3A_340 = arith.muli %scan3A_34, %mul3A_339 : i32
      %get3A_341 = arith.constant 27 : i32
      %get3A_342 = arith.index_cast %get3A_341 : i32 to index
      %get3A_343 = arith.index_cast %mul3A_340 : i32 to index
      %get3A_344 = tpu.vector_load %arg6[%get3A_342, %get3A_343] {strides = array<i32>} : memref<32x2048xf32, #tpu.memory_space<vmem>>, vector<1x16xf32>,
      %get3A_345 = vector.shape_cast %get3A_344 : vector<1x16xf32> to vector<16xf32>
      %add3A_346 = arith.addf %get3A_338, %get3A_345 : vector<16xf32>
      %mul3A_347 = arith.constant 16 : i32
      %mul3A_348 = arith.muli %scan3A_34, %mul3A_347 : i32
      %swap3A_349 = arith.constant 13 : i32
      %swap3A_350 = arith.index_cast %swap3A_349 : i32 to index
      %swap3A_351 = arith.index_cast %mul3A_348 : i32 to index
      %swap3A_352 = tpu.vector_load %arg7[%swap3A_350, %swap3A_351] {strides = array<i32>} : memref<16x2048xf32, #tpu.memory_space<vmem>>, vector<1x16xf32>,
      %swap3A_353 = vector.shape_cast %swap3A_352 : vector<1x16xf32> to vector<16xf32>
      %swap3A_354 = vector.shape_cast %add3A_346 : vector<16xf32> to vector<1x16xf32>
      tpu.vector_store %arg7[%swap3A_350, %swap3A_351], %swap3A_354 {strides = array<i32>} : memref<16x2048xf32, #tpu.memory_space<vmem>>, vector<1x16xf32>,
      %mul3A_355 = arith.constant 16 : i32
      %mul3A_356 = arith.muli %scan3A_34, %mul3A_355 : i32
      %get3A_357 = arith.constant 28 : i32
      %get3A_358 = arith.index_cast %get3A_357 : i32 to index
      %get3A_359 = arith.index_cast %mul3A_356 : i32 to index
      %get3A_360 = tpu.vector_load %arg6[%get3A_358, %get3A_359] {strides = array<i32>} : memref<32x2048xf32, #tpu.memory_space<vmem>>, vector<1x16xf32>,
      %get3A_361 = vector.shape_cast %get3A_360 : vector<1x16xf32> to vector<16xf32>
      %mul3A_362 = arith.constant 16 : i32
      %mul3A_363 = arith.muli %scan3A_34, %mul3A_362 : i32
      %get3A_364 = arith.constant 29 : i32
      %get3A_365 = arith.index_cast %get3A_364 : i32 to index
      %get3A_366 = arith.index_cast %mul3A_363 : i32 to index
      %get3A_367 = tpu.vector_load %arg6[%get3A_365, %get3A_366] {strides = array<i32>} : memref<32x2048xf32, #tpu.memory_space<vmem>>, vector<1x16xf32>,
      %get3A_368 = vector.shape_cast %get3A_367 : vector<1x16xf32> to vector<16xf32>
      %add3A_369 = arith.addf %get3A_361, %get3A_368 : vector<16xf32>
      %mul3A_370 = arith.constant 16 : i32
      %mul3A_371 = arith.muli %scan3A_34, %mul3A_370 : i32
      %swap3A_372 = arith.constant 14 : i32
      %swap3A_373 = arith.index_cast %swap3A_372 : i32 to index
      %swap3A_374 = arith.index_cast %mul3A_371 : i32 to index
      %swap3A_375 = tpu.vector_load %arg7[%swap3A_373, %swap3A_374] {strides = array<i32>} : memref<16x2048xf32, #tpu.memory_space<vmem>>, vector<1x16xf32>,
      %swap3A_376 = vector.shape_cast %swap3A_375 : vector<1x16xf32> to vector<16xf32>
      %swap3A_377 = vector.shape_cast %add3A_369 : vector<16xf32> to vector<1x16xf32>
      tpu.vector_store %arg7[%swap3A_373, %swap3A_374], %swap3A_377 {strides = array<i32>} : memref<16x2048xf32, #tpu.memory_space<vmem>>, vector<1x16xf32>,
      %mul3A_378 = arith.constant 16 : i32
      %mul3A_379 = arith.muli %scan3A_34, %mul3A_378 : i32
      %get3A_380 = arith.constant 30 : i32
      %get3A_381 = arith.index_cast %get3A_380 : i32 to index
      %get3A_382 = arith.index_cast %mul3A_379 : i32 to index
      %get3A_383 = tpu.vector_load %arg6[%get3A_381, %get3A_382] {strides = array<i32>} : memref<32x2048xf32, #tpu.memory_space<vmem>>, vector<1x16xf32>,
      %get3A_384 = vector.shape_cast %get3A_383 : vector<1x16xf32> to vector<16xf32>
      %mul3A_385 = arith.constant 16 : i32
      %mul3A_386 = arith.muli %scan3A_34, %mul3A_385 : i32
      %get3A_387 = arith.constant 31 : i32
      %get3A_388 = arith.index_cast %get3A_387 : i32 to index
      %get3A_389 = arith.index_cast %mul3A_386 : i32 to index
      %get3A_390 = tpu.vector_load %arg6[%get3A_388, %get3A_389] {strides = array<i32>} : memref<32x2048xf32, #tpu.memory_space<vmem>>, vector<1x16xf32>,
      %get3A_391 = vector.shape_cast %get3A_390 : vector<1x16xf32> to vector<16xf32>
      %add3A_392 = arith.addf %get3A_384, %get3A_391 : vector<16xf32>
      %mul3A_393 = arith.constant 16 : i32
      %mul3A_394 = arith.muli %scan3A_34, %mul3A_393 : i32
      %swap3A_395 = arith.constant 15 : i32
      %swap3A_396 = arith.index_cast %swap3A_395 : i32 to index
      %swap3A_397 = arith.index_cast %mul3A_394 : i32 to index
      %swap3A_398 = tpu.vector_load %arg7[%swap3A_396, %swap3A_397] {strides = array<i32>} : memref<16x2048xf32, #tpu.memory_space<vmem>>, vector<1x16xf32>,
      %swap3A_399 = vector.shape_cast %swap3A_398 : vector<1x16xf32> to vector<16xf32>
      %swap3A_400 = vector.shape_cast %add3A_392 : vector<16xf32> to vector<1x16xf32>
      tpu.vector_store %arg7[%swap3A_396, %swap3A_397], %swap3A_400 {strides = array<i32>} : memref<16x2048xf32, #tpu.memory_space<vmem>>, vector<1x16xf32>,
    }
    %scan3A_15 = arith.constant 128 : i32
    "tpu.region"() ({
      %run_scoped3A = tpu.sem_alloc : memref<!tpu.dma_semaphore, #tpu.memory_space<semaphore_mem>>
      %dma_start3A_34 = arith.constant 0 : i32
      %dma_start3A_35 = tpu.memref_slice %arg4[%add3A_4, %dma_start3A_34] : memref<1024x2048xf32, #tpu.memory_space<hbm>> -> memref<16x2048xf32, #tpu.memory_space<hbm>>
      %dma_start3A_36 = arith.constant 0 : i32
      %dma_start3A_37 = tpu.memref_slice %arg4[%add3A_4, %dma_start3A_36] : memref<1024x2048xf32, #tpu.memory_space<hbm>> -> memref<16x2048xf32, #tpu.memory_space<hbm>>
      tpu.enqueue_dma source(%arg7 : memref<16x2048xf32, #tpu.memory_space<vmem>>) target(%dma_start3A_37 : memref<16x2048xf32, #tpu.memory_space<hbm>>) target_semaphore(%run_scoped3A : memref<!tpu.dma_semaphore, #tpu.memory_space<semaphore_mem>>)
      %dma_wait3A_38 = arith.constant 0 : i32
      %dma_wait3A_39 = tpu.memref_slice %arg4[%add3A_4, %dma_wait3A_38] : memref<1024x2048xf32, #tpu.memory_space<hbm>> -> memref<16x2048xf32, #tpu.memory_space<hbm>>
      %dma_wait3A_40 = arith.constant 0 : i32
      %dma_wait3A_41 = tpu.memref_slice %arg4[%add3A_4, %dma_wait3A_40] : memref<1024x2048xf32, #tpu.memory_space<hbm>> -> memref<16x2048xf32, #tpu.memory_space<hbm>>
      tpu.wait_dma2 semaphore(%run_scoped3A : memref<!tpu.dma_semaphore, #tpu.memory_space<semaphore_mem>>) src(%arg7 : memref<16x2048xf32, #tpu.memory_space<vmem>>) dst(%dma_wait3A_41 : memref<16x2048xf32, #tpu.memory_space<hbm>>)
      tpu.yield
    }) : () -> ()
    %mul3A_16 = arith.constant 32 : i32
    %mul3A_17 = arith.muli %add3A, %mul3A_16 : i32
    %add3A_18 = arith.constant 16 : i32
    %add3A_19 = arith.addi %mul3A_17, %add3A_18 : i32
    %mul3A_20 = arith.constant 2 : i32
    %mul3A_21 = arith.muli %add3A_19, %mul3A_20 : i32
    "tpu.region"() ({
      %run_scoped3A = tpu.sem_alloc : memref<!tpu.dma_semaphore, #tpu.memory_space<semaphore_mem>>
      %dma_start3A_34 = tpu.memref_slice %arg3[%mul3A_21] : memref<2048xi32, #tpu.memory_space<hbm>> -> memref<32xi32, #tpu.memory_space<hbm>>
      %dma_start3A_35 = tpu.memref_slice %arg3[%mul3A_21] : memref<2048xi32, #tpu.memory_space<hbm>> -> memref<32xi32, #tpu.memory_space<hbm>>
      tpu.enqueue_dma source(%dma_start3A_35 : memref<32xi32, #tpu.memory_space<hbm>>) target(%arg5 : memref<32xi32, #tpu.memory_space<vmem>>) target_semaphore(%run_scoped3A : memref<!tpu.dma_semaphore, #tpu.memory_space<semaphore_mem>>)
      %dma_wait3A_36 = tpu.memref_slice %arg3[%mul3A_21] : memref<2048xi32, #tpu.memory_space<hbm>> -> memref<32xi32, #tpu.memory_space<hbm>>
      %dma_wait3A_37 = tpu.memref_slice %arg3[%mul3A_21] : memref<2048xi32, #tpu.memory_space<hbm>> -> memref<32xi32, #tpu.memory_space<hbm>>
      tpu.wait_dma2 semaphore(%run_scoped3A : memref<!tpu.dma_semaphore, #tpu.memory_space<semaphore_mem>>) src(%dma_wait3A_37 : memref<32xi32, #tpu.memory_space<hbm>>) dst(%arg5 : memref<32xi32, #tpu.memory_space<vmem>>)
      tpu.yield
    }) : () -> ()
    %dma_start3A_22 = arith.constant 0 : i32
    %dma_start3A_23 = arith.constant 0 : i32
    %dma_start3A_24 = tpu.memref_slice %arg2[%dma_start3A_22, %dma_start3A_23] : memref<3072x2048xf32, #tpu.memory_space<hbm>> -> memref<3072x2048xf32, #tpu.memory_space<hbm>>
    tpu.enqueue_indirect_dma source(%dma_start3A_24 : memref<3072x2048xf32, #tpu.memory_space<hbm>>) target(%arg6 : memref<32x2048xf32, #tpu.memory_space<vmem>>) offsets(%arg5 : memref<32xi32, #tpu.memory_space<vmem>>) semaphore(%arg8 : memref<!tpu.dma_semaphore, #tpu.memory_space<semaphore_mem>>)
    %dma_wait3A_25 = arith.constant 0 : i32
    %dma_wait3A_26 = arith.constant 0 : i32
    %dma_wait3A_27 = tpu.memref_slice %arg2[%dma_wait3A_25, %dma_wait3A_26] : memref<3072x2048xf32, #tpu.memory_space<hbm>> -> memref<3072x2048xf32, #tpu.memory_space<hbm>>
    tpu.wait_indirect_dma semaphore(%arg8 : memref<!tpu.dma_semaphore, #tpu.memory_space<semaphore_mem>>) src(%dma_wait3A_27 : memref<3072x2048xf32, #tpu.memory_space<hbm>>) dst(%arg6 : memref<32x2048xf32, #tpu.memory_space<vmem>>)
    %scan3A_28 = arith.constant 0 : i32
    %scan3A_29 = arith.constant 0 : i32
    %scan3A_30 = arith.constant 128 : i32
    %scan3A_31 = arith.addi %scan3A_29, %scan3A_30 : i32
    %scan3A_32 = arith.constant 1 : i32
    scf.for %scan3A_34 = %scan3A_29 to %scan3A_31 step %scan3A_32  : i32 {
      %mul3A_35 = arith.constant 16 : i32
      %mul3A_36 = arith.muli %scan3A_34, %mul3A_35 : i32
      %get3A = arith.constant 0 : i32
      %get3A_37 = arith.index_cast %get3A : i32 to index
      %get3A_38 = arith.index_cast %mul3A_36 : i32 to index
      %get3A_39 = tpu.vector_load %arg6[%get3A_37, %get3A_38] {strides = array<i32>} : memref<32x2048xf32, #tpu.memory_space<vmem>>, vector<1x16xf32>,
      %get3A_40 = vector.shape_cast %get3A_39 : vector<1x16xf32> to vector<16xf32>
      %mul3A_41 = arith.constant 16 : i32
      %mul3A_42 = arith.muli %scan3A_34, %mul3A_41 : i32
      %get3A_43 = arith.constant 1 : i32
      %get3A_44 = arith.index_cast %get3A_43 : i32 to index
      %get3A_45 = arith.index_cast %mul3A_42 : i32 to index
      %get3A_46 = tpu.vector_load %arg6[%get3A_44, %get3A_45] {strides = array<i32>} : memref<32x2048xf32, #tpu.memory_space<vmem>>, vector<1x16xf32>,
      %get3A_47 = vector.shape_cast %get3A_46 : vector<1x16xf32> to vector<16xf32>
      %add3A_48 = arith.addf %get3A_40, %get3A_47 : vector<16xf32>
      %mul3A_49 = arith.constant 16 : i32
      %mul3A_50 = arith.muli %scan3A_34, %mul3A_49 : i32
      %swap3A = arith.constant 0 : i32
      %swap3A_51 = arith.index_cast %swap3A : i32 to index
      %swap3A_52 = arith.index_cast %mul3A_50 : i32 to index
      %swap3A_53 = tpu.vector_load %arg7[%swap3A_51, %swap3A_52] {strides = array<i32>} : memref<16x2048xf32, #tpu.memory_space<vmem>>, vector<1x16xf32>,
      %swap3A_54 = vector.shape_cast %swap3A_53 : vector<1x16xf32> to vector<16xf32>
      %swap3A_55 = vector.shape_cast %add3A_48 : vector<16xf32> to vector<1x16xf32>
      tpu.vector_store %arg7[%swap3A_51, %swap3A_52], %swap3A_55 {strides = array<i32>} : memref<16x2048xf32, #tpu.memory_space<vmem>>, vector<1x16xf32>,
      %mul3A_56 = arith.constant 16 : i32
      %mul3A_57 = arith.muli %scan3A_34, %mul3A_56 : i32
      %get3A_58 = arith.constant 2 : i32
      %get3A_59 = arith.index_cast %get3A_58 : i32 to index
      %get3A_60 = arith.index_cast %mul3A_57 : i32 to index
      %get3A_61 = tpu.vector_load %arg6[%get3A_59, %get3A_60] {strides = array<i32>} : memref<32x2048xf32, #tpu.memory_space<vmem>>, vector<1x16xf32>,
      %get3A_62 = vector.shape_cast %get3A_61 : vector<1x16xf32> to vector<16xf32>
      %mul3A_63 = arith.constant 16 : i32
      %mul3A_64 = arith.muli %scan3A_34, %mul3A_63 : i32
      %get3A_65 = arith.constant 3 : i32
      %get3A_66 = arith.index_cast %get3A_65 : i32 to index
      %get3A_67 = arith.index_cast %mul3A_64 : i32 to index
      %get3A_68 = tpu.vector_load %arg6[%get3A_66, %get3A_67] {strides = array<i32>} : memref<32x2048xf32, #tpu.memory_space<vmem>>, vector<1x16xf32>,
      %get3A_69 = vector.shape_cast %get3A_68 : vector<1x16xf32> to vector<16xf32>
      %add3A_70 = arith.addf %get3A_62, %get3A_69 : vector<16xf32>
      %mul3A_71 = arith.constant 16 : i32
      %mul3A_72 = arith.muli %scan3A_34, %mul3A_71 : i32
      %swap3A_73 = arith.constant 1 : i32
      %swap3A_74 = arith.index_cast %swap3A_73 : i32 to index
      %swap3A_75 = arith.index_cast %mul3A_72 : i32 to index
      %swap3A_76 = tpu.vector_load %arg7[%swap3A_74, %swap3A_75] {strides = array<i32>} : memref<16x2048xf32, #tpu.memory_space<vmem>>, vector<1x16xf32>,
      %swap3A_77 = vector.shape_cast %swap3A_76 : vector<1x16xf32> to vector<16xf32>
      %swap3A_78 = vector.shape_cast %add3A_70 : vector<16xf32> to vector<1x16xf32>
      tpu.vector_store %arg7[%swap3A_74, %swap3A_75], %swap3A_78 {strides = array<i32>} : memref<16x2048xf32, #tpu.memory_space<vmem>>, vector<1x16xf32>,
      %mul3A_79 = arith.constant 16 : i32
      %mul3A_80 = arith.muli %scan3A_34, %mul3A_79 : i32
      %get3A_81 = arith.constant 4 : i32
      %get3A_82 = arith.index_cast %get3A_81 : i32 to index
      %get3A_83 = arith.index_cast %mul3A_80 : i32 to index
      %get3A_84 = tpu.vector_load %arg6[%get3A_82, %get3A_83] {strides = array<i32>} : memref<32x2048xf32, #tpu.memory_space<vmem>>, vector<1x16xf32>,
      %get3A_85 = vector.shape_cast %get3A_84 : vector<1x16xf32> to vector<16xf32>
      %mul3A_86 = arith.constant 16 : i32
      %mul3A_87 = arith.muli %scan3A_34, %mul3A_86 : i32
      %get3A_88 = arith.constant 5 : i32
      %get3A_89 = arith.index_cast %get3A_88 : i32 to index
      %get3A_90 = arith.index_cast %mul3A_87 : i32 to index
      %get3A_91 = tpu.vector_load %arg6[%get3A_89, %get3A_90] {strides = array<i32>} : memref<32x2048xf32, #tpu.memory_space<vmem>>, vector<1x16xf32>,
      %get3A_92 = vector.shape_cast %get3A_91 : vector<1x16xf32> to vector<16xf32>
      %add3A_93 = arith.addf %get3A_85, %get3A_92 : vector<16xf32>
      %mul3A_94 = arith.constant 16 : i32
      %mul3A_95 = arith.muli %scan3A_34, %mul3A_94 : i32
      %swap3A_96 = arith.constant 2 : i32
      %swap3A_97 = arith.index_cast %swap3A_96 : i32 to index
      %swap3A_98 = arith.index_cast %mul3A_95 : i32 to index
      %swap3A_99 = tpu.vector_load %arg7[%swap3A_97, %swap3A_98] {strides = array<i32>} : memref<16x2048xf32, #tpu.memory_space<vmem>>, vector<1x16xf32>,
      %swap3A_100 = vector.shape_cast %swap3A_99 : vector<1x16xf32> to vector<16xf32>
      %swap3A_101 = vector.shape_cast %add3A_93 : vector<16xf32> to vector<1x16xf32>
      tpu.vector_store %arg7[%swap3A_97, %swap3A_98], %swap3A_101 {strides = array<i32>} : memref<16x2048xf32, #tpu.memory_space<vmem>>, vector<1x16xf32>,
      %mul3A_102 = arith.constant 16 : i32
      %mul3A_103 = arith.muli %scan3A_34, %mul3A_102 : i32
      %get3A_104 = arith.constant 6 : i32
      %get3A_105 = arith.index_cast %get3A_104 : i32 to index
      %get3A_106 = arith.index_cast %mul3A_103 : i32 to index
      %get3A_107 = tpu.vector_load %arg6[%get3A_105, %get3A_106] {strides = array<i32>} : memref<32x2048xf32, #tpu.memory_space<vmem>>, vector<1x16xf32>,
      %get3A_108 = vector.shape_cast %get3A_107 : vector<1x16xf32> to vector<16xf32>
      %mul3A_109 = arith.constant 16 : i32
      %mul3A_110 = arith.muli %scan3A_34, %mul3A_109 : i32
      %get3A_111 = arith.constant 7 : i32
      %get3A_112 = arith.index_cast %get3A_111 : i32 to index
      %get3A_113 = arith.index_cast %mul3A_110 : i32 to index
      %get3A_114 = tpu.vector_load %arg6[%get3A_112, %get3A_113] {strides = array<i32>} : memref<32x2048xf32, #tpu.memory_space<vmem>>, vector<1x16xf32>,
      %get3A_115 = vector.shape_cast %get3A_114 : vector<1x16xf32> to vector<16xf32>
      %add3A_116 = arith.addf %get3A_108, %get3A_115 : vector<16xf32>
      %mul3A_117 = arith.constant 16 : i32
      %mul3A_118 = arith.muli %scan3A_34, %mul3A_117 : i32
      %swap3A_119 = arith.constant 3 : i32
      %swap3A_120 = arith.index_cast %swap3A_119 : i32 to index
      %swap3A_121 = arith.index_cast %mul3A_118 : i32 to index
      %swap3A_122 = tpu.vector_load %arg7[%swap3A_120, %swap3A_121] {strides = array<i32>} : memref<16x2048xf32, #tpu.memory_space<vmem>>, vector<1x16xf32>,
      %swap3A_123 = vector.shape_cast %swap3A_122 : vector<1x16xf32> to vector<16xf32>
      %swap3A_124 = vector.shape_cast %add3A_116 : vector<16xf32> to vector<1x16xf32>
      tpu.vector_store %arg7[%swap3A_120, %swap3A_121], %swap3A_124 {strides = array<i32>} : memref<16x2048xf32, #tpu.memory_space<vmem>>, vector<1x16xf32>,
      %mul3A_125 = arith.constant 16 : i32
      %mul3A_126 = arith.muli %scan3A_34, %mul3A_125 : i32
      %get3A_127 = arith.constant 8 : i32
      %get3A_128 = arith.index_cast %get3A_127 : i32 to index
      %get3A_129 = arith.index_cast %mul3A_126 : i32 to index
      %get3A_130 = tpu.vector_load %arg6[%get3A_128, %get3A_129] {strides = array<i32>} : memref<32x2048xf32, #tpu.memory_space<vmem>>, vector<1x16xf32>,
      %get3A_131 = vector.shape_cast %get3A_130 : vector<1x16xf32> to vector<16xf32>
      %mul3A_132 = arith.constant 16 : i32
      %mul3A_133 = arith.muli %scan3A_34, %mul3A_132 : i32
      %get3A_134 = arith.constant 9 : i32
      %get3A_135 = arith.index_cast %get3A_134 : i32 to index
      %get3A_136 = arith.index_cast %mul3A_133 : i32 to index
      %get3A_137 = tpu.vector_load %arg6[%get3A_135, %get3A_136] {strides = array<i32>} : memref<32x2048xf32, #tpu.memory_space<vmem>>, vector<1x16xf32>,
      %get3A_138 = vector.shape_cast %get3A_137 : vector<1x16xf32> to vector<16xf32>
      %add3A_139 = arith.addf %get3A_131, %get3A_138 : vector<16xf32>
      %mul3A_140 = arith.constant 16 : i32
      %mul3A_141 = arith.muli %scan3A_34, %mul3A_140 : i32
      %swap3A_142 = arith.constant 4 : i32
      %swap3A_143 = arith.index_cast %swap3A_142 : i32 to index
      %swap3A_144 = arith.index_cast %mul3A_141 : i32 to index
      %swap3A_145 = tpu.vector_load %arg7[%swap3A_143, %swap3A_144] {strides = array<i32>} : memref<16x2048xf32, #tpu.memory_space<vmem>>, vector<1x16xf32>,
      %swap3A_146 = vector.shape_cast %swap3A_145 : vector<1x16xf32> to vector<16xf32>
      %swap3A_147 = vector.shape_cast %add3A_139 : vector<16xf32> to vector<1x16xf32>
      tpu.vector_store %arg7[%swap3A_143, %swap3A_144], %swap3A_147 {strides = array<i32>} : memref<16x2048xf32, #tpu.memory_space<vmem>>, vector<1x16xf32>,
      %mul3A_148 = arith.constant 16 : i32
      %mul3A_149 = arith.muli %scan3A_34, %mul3A_148 : i32
      %get3A_150 = arith.constant 10 : i32
      %get3A_151 = arith.index_cast %get3A_150 : i32 to index
      %get3A_152 = arith.index_cast %mul3A_149 : i32 to index
      %get3A_153 = tpu.vector_load %arg6[%get3A_151, %get3A_152] {strides = array<i32>} : memref<32x2048xf32, #tpu.memory_space<vmem>>, vector<1x16xf32>,
      %get3A_154 = vector.shape_cast %get3A_153 : vector<1x16xf32> to vector<16xf32>
      %mul3A_155 = arith.constant 16 : i32
      %mul3A_156 = arith.muli %scan3A_34, %mul3A_155 : i32
      %get3A_157 = arith.constant 11 : i32
      %get3A_158 = arith.index_cast %get3A_157 : i32 to index
      %get3A_159 = arith.index_cast %mul3A_156 : i32 to index
      %get3A_160 = tpu.vector_load %arg6[%get3A_158, %get3A_159] {strides = array<i32>} : memref<32x2048xf32, #tpu.memory_space<vmem>>, vector<1x16xf32>,
      %get3A_161 = vector.shape_cast %get3A_160 : vector<1x16xf32> to vector<16xf32>
      %add3A_162 = arith.addf %get3A_154, %get3A_161 : vector<16xf32>
      %mul3A_163 = arith.constant 16 : i32
      %mul3A_164 = arith.muli %scan3A_34, %mul3A_163 : i32
      %swap3A_165 = arith.constant 5 : i32
      %swap3A_166 = arith.index_cast %swap3A_165 : i32 to index
      %swap3A_167 = arith.index_cast %mul3A_164 : i32 to index
      %swap3A_168 = tpu.vector_load %arg7[%swap3A_166, %swap3A_167] {strides = array<i32>} : memref<16x2048xf32, #tpu.memory_space<vmem>>, vector<1x16xf32>,
      %swap3A_169 = vector.shape_cast %swap3A_168 : vector<1x16xf32> to vector<16xf32>
      %swap3A_170 = vector.shape_cast %add3A_162 : vector<16xf32> to vector<1x16xf32>
      tpu.vector_store %arg7[%swap3A_166, %swap3A_167], %swap3A_170 {strides = array<i32>} : memref<16x2048xf32, #tpu.memory_space<vmem>>, vector<1x16xf32>,
      %mul3A_171 = arith.constant 16 : i32
      %mul3A_172 = arith.muli %scan3A_34, %mul3A_171 : i32
      %get3A_173 = arith.constant 12 : i32
      %get3A_174 = arith.index_cast %get3A_173 : i32 to index
      %get3A_175 = arith.index_cast %mul3A_172 : i32 to index
      %get3A_176 = tpu.vector_load %arg6[%get3A_174, %get3A_175] {strides = array<i32>} : memref<32x2048xf32, #tpu.memory_space<vmem>>, vector<1x16xf32>,
      %get3A_177 = vector.shape_cast %get3A_176 : vector<1x16xf32> to vector<16xf32>
      %mul3A_178 = arith.constant 16 : i32
      %mul3A_179 = arith.muli %scan3A_34, %mul3A_178 : i32
      %get3A_180 = arith.constant 13 : i32
      %get3A_181 = arith.index_cast %get3A_180 : i32 to index
      %get3A_182 = arith.index_cast %mul3A_179 : i32 to index
      %get3A_183 = tpu.vector_load %arg6[%get3A_181, %get3A_182] {strides = array<i32>} : memref<32x2048xf32, #tpu.memory_space<vmem>>, vector<1x16xf32>,
      %get3A_184 = vector.shape_cast %get3A_183 : vector<1x16xf32> to vector<16xf32>
      %add3A_185 = arith.addf %get3A_177, %get3A_184 : vector<16xf32>
      %mul3A_186 = arith.constant 16 : i32
      %mul3A_187 = arith.muli %scan3A_34, %mul3A_186 : i32
      %swap3A_188 = arith.constant 6 : i32
      %swap3A_189 = arith.index_cast %swap3A_188 : i32 to index
      %swap3A_190 = arith.index_cast %mul3A_187 : i32 to index
      %swap3A_191 = tpu.vector_load %arg7[%swap3A_189, %swap3A_190] {strides = array<i32>} : memref<16x2048xf32, #tpu.memory_space<vmem>>, vector<1x16xf32>,
      %swap3A_192 = vector.shape_cast %swap3A_191 : vector<1x16xf32> to vector<16xf32>
      %swap3A_193 = vector.shape_cast %add3A_185 : vector<16xf32> to vector<1x16xf32>
      tpu.vector_store %arg7[%swap3A_189, %swap3A_190], %swap3A_193 {strides = array<i32>} : memref<16x2048xf32, #tpu.memory_space<vmem>>, vector<1x16xf32>,
      %mul3A_194 = arith.constant 16 : i32
      %mul3A_195 = arith.muli %scan3A_34, %mul3A_194 : i32
      %get3A_196 = arith.constant 14 : i32
      %get3A_197 = arith.index_cast %get3A_196 : i32 to index
      %get3A_198 = arith.index_cast %mul3A_195 : i32 to index
      %get3A_199 = tpu.vector_load %arg6[%get3A_197, %get3A_198] {strides = array<i32>} : memref<32x2048xf32, #tpu.memory_space<vmem>>, vector<1x16xf32>,
      %get3A_200 = vector.shape_cast %get3A_199 : vector<1x16xf32> to vector<16xf32>
      %mul3A_201 = arith.constant 16 : i32
      %mul3A_202 = arith.muli %scan3A_34, %mul3A_201 : i32
      %get3A_203 = arith.constant 15 : i32
      %get3A_204 = arith.index_cast %get3A_203 : i32 to index
      %get3A_205 = arith.index_cast %mul3A_202 : i32 to index
      %get3A_206 = tpu.vector_load %arg6[%get3A_204, %get3A_205] {strides = array<i32>} : memref<32x2048xf32, #tpu.memory_space<vmem>>, vector<1x16xf32>,
      %get3A_207 = vector.shape_cast %get3A_206 : vector<1x16xf32> to vector<16xf32>
      %add3A_208 = arith.addf %get3A_200, %get3A_207 : vector<16xf32>
      %mul3A_209 = arith.constant 16 : i32
      %mul3A_210 = arith.muli %scan3A_34, %mul3A_209 : i32
      %swap3A_211 = arith.constant 7 : i32
      %swap3A_212 = arith.index_cast %swap3A_211 : i32 to index
      %swap3A_213 = arith.index_cast %mul3A_210 : i32 to index
      %swap3A_214 = tpu.vector_load %arg7[%swap3A_212, %swap3A_213] {strides = array<i32>} : memref<16x2048xf32, #tpu.memory_space<vmem>>, vector<1x16xf32>,
      %swap3A_215 = vector.shape_cast %swap3A_214 : vector<1x16xf32> to vector<16xf32>
      %swap3A_216 = vector.shape_cast %add3A_208 : vector<16xf32> to vector<1x16xf32>
      tpu.vector_store %arg7[%swap3A_212, %swap3A_213], %swap3A_216 {strides = array<i32>} : memref<16x2048xf32, #tpu.memory_space<vmem>>, vector<1x16xf32>,
      %mul3A_217 = arith.constant 16 : i32
      %mul3A_218 = arith.muli %scan3A_34, %mul3A_217 : i32
      %get3A_219 = arith.constant 16 : i32
      %get3A_220 = arith.index_cast %get3A_219 : i32 to index
      %get3A_221 = arith.index_cast %mul3A_218 : i32 to index
      %get3A_222 = tpu.vector_load %arg6[%get3A_220, %get3A_221] {strides = array<i32>} : memref<32x2048xf32, #tpu.memory_space<vmem>>, vector<1x16xf32>,
      %get3A_223 = vector.shape_cast %get3A_222 : vector<1x16xf32> to vector<16xf32>
      %mul3A_224 = arith.constant 16 : i32
      %mul3A_225 = arith.muli %scan3A_34, %mul3A_224 : i32
      %get3A_226 = arith.constant 17 : i32
      %get3A_227 = arith.index_cast %get3A_226 : i32 to index
      %get3A_228 = arith.index_cast %mul3A_225 : i32 to index
      %get3A_229 = tpu.vector_load %arg6[%get3A_227, %get3A_228] {strides = array<i32>} : memref<32x2048xf32, #tpu.memory_space<vmem>>, vector<1x16xf32>,
      %get3A_230 = vector.shape_cast %get3A_229 : vector<1x16xf32> to vector<16xf32>
      %add3A_231 = arith.addf %get3A_223, %get3A_230 : vector<16xf32>
      %mul3A_232 = arith.constant 16 : i32
      %mul3A_233 = arith.muli %scan3A_34, %mul3A_232 : i32
      %swap3A_234 = arith.constant 8 : i32
      %swap3A_235 = arith.index_cast %swap3A_234 : i32 to index
      %swap3A_236 = arith.index_cast %mul3A_233 : i32 to index
      %swap3A_237 = tpu.vector_load %arg7[%swap3A_235, %swap3A_236] {strides = array<i32>} : memref<16x2048xf32, #tpu.memory_space<vmem>>, vector<1x16xf32>,
      %swap3A_238 = vector.shape_cast %swap3A_237 : vector<1x16xf32> to vector<16xf32>
      %swap3A_239 = vector.shape_cast %add3A_231 : vector<16xf32> to vector<1x16xf32>
      tpu.vector_store %arg7[%swap3A_235, %swap3A_236], %swap3A_239 {strides = array<i32>} : memref<16x2048xf32, #tpu.memory_space<vmem>>, vector<1x16xf32>,
      %mul3A_240 = arith.constant 16 : i32
      %mul3A_241 = arith.muli %scan3A_34, %mul3A_240 : i32
      %get3A_242 = arith.constant 18 : i32
      %get3A_243 = arith.index_cast %get3A_242 : i32 to index
      %get3A_244 = arith.index_cast %mul3A_241 : i32 to index
      %get3A_245 = tpu.vector_load %arg6[%get3A_243, %get3A_244] {strides = array<i32>} : memref<32x2048xf32, #tpu.memory_space<vmem>>, vector<1x16xf32>,
      %get3A_246 = vector.shape_cast %get3A_245 : vector<1x16xf32> to vector<16xf32>
      %mul3A_247 = arith.constant 16 : i32
      %mul3A_248 = arith.muli %scan3A_34, %mul3A_247 : i32
      %get3A_249 = arith.constant 19 : i32
      %get3A_250 = arith.index_cast %get3A_249 : i32 to index
      %get3A_251 = arith.index_cast %mul3A_248 : i32 to index
      %get3A_252 = tpu.vector_load %arg6[%get3A_250, %get3A_251] {strides = array<i32>} : memref<32x2048xf32, #tpu.memory_space<vmem>>, vector<1x16xf32>,
      %get3A_253 = vector.shape_cast %get3A_252 : vector<1x16xf32> to vector<16xf32>
      %add3A_254 = arith.addf %get3A_246, %get3A_253 : vector<16xf32>
      %mul3A_255 = arith.constant 16 : i32
      %mul3A_256 = arith.muli %scan3A_34, %mul3A_255 : i32
      %swap3A_257 = arith.constant 9 : i32
      %swap3A_258 = arith.index_cast %swap3A_257 : i32 to index
      %swap3A_259 = arith.index_cast %mul3A_256 : i32 to index
      %swap3A_260 = tpu.vector_load %arg7[%swap3A_258, %swap3A_259] {strides = array<i32>} : memref<16x2048xf32, #tpu.memory_space<vmem>>, vector<1x16xf32>,
      %swap3A_261 = vector.shape_cast %swap3A_260 : vector<1x16xf32> to vector<16xf32>
      %swap3A_262 = vector.shape_cast %add3A_254 : vector<16xf32> to vector<1x16xf32>
      tpu.vector_store %arg7[%swap3A_258, %swap3A_259], %swap3A_262 {strides = array<i32>} : memref<16x2048xf32, #tpu.memory_space<vmem>>, vector<1x16xf32>,
      %mul3A_263 = arith.constant 16 : i32
      %mul3A_264 = arith.muli %scan3A_34, %mul3A_263 : i32
      %get3A_265 = arith.constant 20 : i32
      %get3A_266 = arith.index_cast %get3A_265 : i32 to index
      %get3A_267 = arith.index_cast %mul3A_264 : i32 to index
      %get3A_268 = tpu.vector_load %arg6[%get3A_266, %get3A_267] {strides = array<i32>} : memref<32x2048xf32, #tpu.memory_space<vmem>>, vector<1x16xf32>,
      %get3A_269 = vector.shape_cast %get3A_268 : vector<1x16xf32> to vector<16xf32>
      %mul3A_270 = arith.constant 16 : i32
      %mul3A_271 = arith.muli %scan3A_34, %mul3A_270 : i32
      %get3A_272 = arith.constant 21 : i32
      %get3A_273 = arith.index_cast %get3A_272 : i32 to index
      %get3A_274 = arith.index_cast %mul3A_271 : i32 to index
      %get3A_275 = tpu.vector_load %arg6[%get3A_273, %get3A_274] {strides = array<i32>} : memref<32x2048xf32, #tpu.memory_space<vmem>>, vector<1x16xf32>,
      %get3A_276 = vector.shape_cast %get3A_275 : vector<1x16xf32> to vector<16xf32>
      %add3A_277 = arith.addf %get3A_269, %get3A_276 : vector<16xf32>
      %mul3A_278 = arith.constant 16 : i32
      %mul3A_279 = arith.muli %scan3A_34, %mul3A_278 : i32
      %swap3A_280 = arith.constant 10 : i32
      %swap3A_281 = arith.index_cast %swap3A_280 : i32 to index
      %swap3A_282 = arith.index_cast %mul3A_279 : i32 to index
      %swap3A_283 = tpu.vector_load %arg7[%swap3A_281, %swap3A_282] {strides = array<i32>} : memref<16x2048xf32, #tpu.memory_space<vmem>>, vector<1x16xf32>,
      %swap3A_284 = vector.shape_cast %swap3A_283 : vector<1x16xf32> to vector<16xf32>
      %swap3A_285 = vector.shape_cast %add3A_277 : vector<16xf32> to vector<1x16xf32>
      tpu.vector_store %arg7[%swap3A_281, %swap3A_282], %swap3A_285 {strides = array<i32>} : memref<16x2048xf32, #tpu.memory_space<vmem>>, vector<1x16xf32>,
      %mul3A_286 = arith.constant 16 : i32
      %mul3A_287 = arith.muli %scan3A_34, %mul3A_286 : i32
      %get3A_288 = arith.constant 22 : i32
      %get3A_289 = arith.index_cast %get3A_288 : i32 to index
      %get3A_290 = arith.index_cast %mul3A_287 : i32 to index
      %get3A_291 = tpu.vector_load %arg6[%get3A_289, %get3A_290] {strides = array<i32>} : memref<32x2048xf32, #tpu.memory_space<vmem>>, vector<1x16xf32>,
      %get3A_292 = vector.shape_cast %get3A_291 : vector<1x16xf32> to vector<16xf32>
      %mul3A_293 = arith.constant 16 : i32
      %mul3A_294 = arith.muli %scan3A_34, %mul3A_293 : i32
      %get3A_295 = arith.constant 23 : i32
      %get3A_296 = arith.index_cast %get3A_295 : i32 to index
      %get3A_297 = arith.index_cast %mul3A_294 : i32 to index
      %get3A_298 = tpu.vector_load %arg6[%get3A_296, %get3A_297] {strides = array<i32>} : memref<32x2048xf32, #tpu.memory_space<vmem>>, vector<1x16xf32>,
      %get3A_299 = vector.shape_cast %get3A_298 : vector<1x16xf32> to vector<16xf32>
      %add3A_300 = arith.addf %get3A_292, %get3A_299 : vector<16xf32>
      %mul3A_301 = arith.constant 16 : i32
      %mul3A_302 = arith.muli %scan3A_34, %mul3A_301 : i32
      %swap3A_303 = arith.constant 11 : i32
      %swap3A_304 = arith.index_cast %swap3A_303 : i32 to index
      %swap3A_305 = arith.index_cast %mul3A_302 : i32 to index
      %swap3A_306 = tpu.vector_load %arg7[%swap3A_304, %swap3A_305] {strides = array<i32>} : memref<16x2048xf32, #tpu.memory_space<vmem>>, vector<1x16xf32>,
      %swap3A_307 = vector.shape_cast %swap3A_306 : vector<1x16xf32> to vector<16xf32>
      %swap3A_308 = vector.shape_cast %add3A_300 : vector<16xf32> to vector<1x16xf32>
      tpu.vector_store %arg7[%swap3A_304, %swap3A_305], %swap3A_308 {strides = array<i32>} : memref<16x2048xf32, #tpu.memory_space<vmem>>, vector<1x16xf32>,
      %mul3A_309 = arith.constant 16 : i32
      %mul3A_310 = arith.muli %scan3A_34, %mul3A_309 : i32
      %get3A_311 = arith.constant 24 : i32
      %get3A_312 = arith.index_cast %get3A_311 : i32 to index
      %get3A_313 = arith.index_cast %mul3A_310 : i32 to index
      %get3A_314 = tpu.vector_load %arg6[%get3A_312, %get3A_313] {strides = array<i32>} : memref<32x2048xf32, #tpu.memory_space<vmem>>, vector<1x16xf32>,
      %get3A_315 = vector.shape_cast %get3A_314 : vector<1x16xf32> to vector<16xf32>
      %mul3A_316 = arith.constant 16 : i32
      %mul3A_317 = arith.muli %scan3A_34, %mul3A_316 : i32
      %get3A_318 = arith.constant 25 : i32
      %get3A_319 = arith.index_cast %get3A_318 : i32 to index
      %get3A_320 = arith.index_cast %mul3A_317 : i32 to index
      %get3A_321 = tpu.vector_load %arg6[%get3A_319, %get3A_320] {strides = array<i32>} : memref<32x2048xf32, #tpu.memory_space<vmem>>, vector<1x16xf32>,
      %get3A_322 = vector.shape_cast %get3A_321 : vector<1x16xf32> to vector<16xf32>
      %add3A_323 = arith.addf %get3A_315, %get3A_322 : vector<16xf32>
      %mul3A_324 = arith.constant 16 : i32
      %mul3A_325 = arith.muli %scan3A_34, %mul3A_324 : i32
      %swap3A_326 = arith.constant 12 : i32
      %swap3A_327 = arith.index_cast %swap3A_326 : i32 to index
      %swap3A_328 = arith.index_cast %mul3A_325 : i32 to index
      %swap3A_329 = tpu.vector_load %arg7[%swap3A_327, %swap3A_328] {strides = array<i32>} : memref<16x2048xf32, #tpu.memory_space<vmem>>, vector<1x16xf32>,
      %swap3A_330 = vector.shape_cast %swap3A_329 : vector<1x16xf32> to vector<16xf32>
      %swap3A_331 = vector.shape_cast %add3A_323 : vector<16xf32> to vector<1x16xf32>
      tpu.vector_store %arg7[%swap3A_327, %swap3A_328], %swap3A_331 {strides = array<i32>} : memref<16x2048xf32, #tpu.memory_space<vmem>>, vector<1x16xf32>,
      %mul3A_332 = arith.constant 16 : i32
      %mul3A_333 = arith.muli %scan3A_34, %mul3A_332 : i32
      %get3A_334 = arith.constant 26 : i32
      %get3A_335 = arith.index_cast %get3A_334 : i32 to index
      %get3A_336 = arith.index_cast %mul3A_333 : i32 to index
      %get3A_337 = tpu.vector_load %arg6[%get3A_335, %get3A_336] {strides = array<i32>} : memref<32x2048xf32, #tpu.memory_space<vmem>>, vector<1x16xf32>,
      %get3A_338 = vector.shape_cast %get3A_337 : vector<1x16xf32> to vector<16xf32>
      %mul3A_339 = arith.constant 16 : i32
      %mul3A_340 = arith.muli %scan3A_34, %mul3A_339 : i32
      %get3A_341 = arith.constant 27 : i32
      %get3A_342 = arith.index_cast %get3A_341 : i32 to index
      %get3A_343 = arith.index_cast %mul3A_340 : i32 to index
      %get3A_344 = tpu.vector_load %arg6[%get3A_342, %get3A_343] {strides = array<i32>} : memref<32x2048xf32, #tpu.memory_space<vmem>>, vector<1x16xf32>,
      %get3A_345 = vector.shape_cast %get3A_344 : vector<1x16xf32> to vector<16xf32>
      %add3A_346 = arith.addf %get3A_338, %get3A_345 : vector<16xf32>
      %mul3A_347 = arith.constant 16 : i32
      %mul3A_348 = arith.muli %scan3A_34, %mul3A_347 : i32
      %swap3A_349 = arith.constant 13 : i32
      %swap3A_350 = arith.index_cast %swap3A_349 : i32 to index
      %swap3A_351 = arith.index_cast %mul3A_348 : i32 to index
      %swap3A_352 = tpu.vector_load %arg7[%swap3A_350, %swap3A_351] {strides = array<i32>} : memref<16x2048xf32, #tpu.memory_space<vmem>>, vector<1x16xf32>,
      %swap3A_353 = vector.shape_cast %swap3A_352 : vector<1x16xf32> to vector<16xf32>
      %swap3A_354 = vector.shape_cast %add3A_346 : vector<16xf32> to vector<1x16xf32>
      tpu.vector_store %arg7[%swap3A_350, %swap3A_351], %swap3A_354 {strides = array<i32>} : memref<16x2048xf32, #tpu.memory_space<vmem>>, vector<1x16xf32>,
      %mul3A_355 = arith.constant 16 : i32
      %mul3A_356 = arith.muli %scan3A_34, %mul3A_355 : i32
      %get3A_357 = arith.constant 28 : i32
      %get3A_358 = arith.index_cast %get3A_357 : i32 to index
      %get3A_359 = arith.index_cast %mul3A_356 : i32 to index
      %get3A_360 = tpu.vector_load %arg6[%get3A_358, %get3A_359] {strides = array<i32>} : memref<32x2048xf32, #tpu.memory_space<vmem>>, vector<1x16xf32>,
      %get3A_361 = vector.shape_cast %get3A_360 : vector<1x16xf32> to vector<16xf32>
      %mul3A_362 = arith.constant 16 : i32
      %mul3A_363 = arith.muli %scan3A_34, %mul3A_362 : i32
      %get3A_364 = arith.constant 29 : i32
      %get3A_365 = arith.index_cast %get3A_364 : i32 to index
      %get3A_366 = arith.index_cast %mul3A_363 : i32 to index
      %get3A_367 = tpu.vector_load %arg6[%get3A_365, %get3A_366] {strides = array<i32>} : memref<32x2048xf32, #tpu.memory_space<vmem>>, vector<1x16xf32>,
      %get3A_368 = vector.shape_cast %get3A_367 : vector<1x16xf32> to vector<16xf32>
      %add3A_369 = arith.addf %get3A_361, %get3A_368 : vector<16xf32>
      %mul3A_370 = arith.constant 16 : i32
      %mul3A_371 = arith.muli %scan3A_34, %mul3A_370 : i32
      %swap3A_372 = arith.constant 14 : i32
      %swap3A_373 = arith.index_cast %swap3A_372 : i32 to index
      %swap3A_374 = arith.index_cast %mul3A_371 : i32 to index
      %swap3A_375 = tpu.vector_load %arg7[%swap3A_373, %swap3A_374] {strides = array<i32>} : memref<16x2048xf32, #tpu.memory_space<vmem>>, vector<1x16xf32>,
      %swap3A_376 = vector.shape_cast %swap3A_375 : vector<1x16xf32> to vector<16xf32>
      %swap3A_377 = vector.shape_cast %add3A_369 : vector<16xf32> to vector<1x16xf32>
      tpu.vector_store %arg7[%swap3A_373, %swap3A_374], %swap3A_377 {strides = array<i32>} : memref<16x2048xf32, #tpu.memory_space<vmem>>, vector<1x16xf32>,
      %mul3A_378 = arith.constant 16 : i32
      %mul3A_379 = arith.muli %scan3A_34, %mul3A_378 : i32
      %get3A_380 = arith.constant 30 : i32
      %get3A_381 = arith.index_cast %get3A_380 : i32 to index
      %get3A_382 = arith.index_cast %mul3A_379 : i32 to index
      %get3A_383 = tpu.vector_load %arg6[%get3A_381, %get3A_382] {strides = array<i32>} : memref<32x2048xf32, #tpu.memory_space<vmem>>, vector<1x16xf32>,
      %get3A_384 = vector.shape_cast %get3A_383 : vector<1x16xf32> to vector<16xf32>
      %mul3A_385 = arith.constant 16 : i32
      %mul3A_386 = arith.muli %scan3A_34, %mul3A_385 : i32
      %get3A_387 = arith.constant 31 : i32
      %get3A_388 = arith.index_cast %get3A_387 : i32 to index
      %get3A_389 = arith.index_cast %mul3A_386 : i32 to index
      %get3A_390 = tpu.vector_load %arg6[%get3A_388, %get3A_389] {strides = array<i32>} : memref<32x2048xf32, #tpu.memory_space<vmem>>, vector<1x16xf32>,
      %get3A_391 = vector.shape_cast %get3A_390 : vector<1x16xf32> to vector<16xf32>
      %add3A_392 = arith.addf %get3A_384, %get3A_391 : vector<16xf32>
      %mul3A_393 = arith.constant 16 : i32
      %mul3A_394 = arith.muli %scan3A_34, %mul3A_393 : i32
      %swap3A_395 = arith.constant 15 : i32
      %swap3A_396 = arith.index_cast %swap3A_395 : i32 to index
      %swap3A_397 = arith.index_cast %mul3A_394 : i32 to index
      %swap3A_398 = tpu.vector_load %arg7[%swap3A_396, %swap3A_397] {strides = array<i32>} : memref<16x2048xf32, #tpu.memory_space<vmem>>, vector<1x16xf32>,
      %swap3A_399 = vector.shape_cast %swap3A_398 : vector<1x16xf32> to vector<16xf32>
      %swap3A_400 = vector.shape_cast %add3A_392 : vector<16xf32> to vector<1x16xf32>
      tpu.vector_store %arg7[%swap3A_396, %swap3A_397], %swap3A_400 {strides = array<i32>} : memref<16x2048xf32, #tpu.memory_space<vmem>>, vector<1x16xf32>,
    }
    %scan3A_33 = arith.constant 128 : i32
    "tpu.region"() ({
      %run_scoped3A = tpu.sem_alloc : memref<!tpu.dma_semaphore, #tpu.memory_space<semaphore_mem>>
      %dma_start3A_34 = arith.constant 0 : i32
      %dma_start3A_35 = tpu.memref_slice %arg4[%add3A_19, %dma_start3A_34] : memref<1024x2048xf32, #tpu.memory_space<hbm>> -> memref<16x2048xf32, #tpu.memory_space<hbm>>
      %dma_start3A_36 = arith.constant 0 : i32
      %dma_start3A_37 = tpu.memref_slice %arg4[%add3A_19, %dma_start3A_36] : memref<1024x2048xf32, #tpu.memory_space<hbm>> -> memref<16x2048xf32, #tpu.memory_space<hbm>>
      tpu.enqueue_dma source(%arg7 : memref<16x2048xf32, #tpu.memory_space<vmem>>) target(%dma_start3A_37 : memref<16x2048xf32, #tpu.memory_space<hbm>>) target_semaphore(%run_scoped3A : memref<!tpu.dma_semaphore, #tpu.memory_space<semaphore_mem>>)
      %dma_wait3A_38 = arith.constant 0 : i32
      %dma_wait3A_39 = tpu.memref_slice %arg4[%add3A_19, %dma_wait3A_38] : memref<1024x2048xf32, #tpu.memory_space<hbm>> -> memref<16x2048xf32, #tpu.memory_space<hbm>>
      %dma_wait3A_40 = arith.constant 0 : i32
      %dma_wait3A_41 = tpu.memref_slice %arg4[%add3A_19, %dma_wait3A_40] : memref<1024x2048xf32, #tpu.memory_space<hbm>> -> memref<16x2048xf32, #tpu.memory_space<hbm>>
      tpu.wait_dma2 semaphore(%run_scoped3A : memref<!tpu.dma_semaphore, #tpu.memory_space<semaphore_mem>>) src(%arg7 : memref<16x2048xf32, #tpu.memory_space<vmem>>) dst(%dma_wait3A_41 : memref<16x2048xf32, #tpu.memory_space<hbm>>)
      tpu.yield
    }) : () -> ()
    return
  }
}

module attributes {stable_mosaic.version = 14 : i64} {
  func.func @_routing_body(%arg0: memref<1024x8xf32, #tpu.memory_space<vmem>>, %arg1: memref<1024x1xi32, #tpu.memory_space<vmem>>, %arg2: memref<1024x1xi32, #tpu.memory_space<vmem>>, %arg3: memref<1024x1xf32, #tpu.memory_space<vmem>>, %arg4: memref<1024x1xf32, #tpu.memory_space<vmem>>, %arg5: memref<32x1xi32, #tpu.memory_space<vmem>>) attributes {dimension_semantics = [], scalar_prefetch = 0 : i64, scratch_operands = 0 : i64, tpu.core_type = #tpu.core_type<tc>} {
    %get3A = arith.constant 0 : index
    %get3A_0 = arith.constant 0 : index
    %get3A_1 = vector.load %arg0[%get3A, %get3A_0] : memref<1024x8xf32, #tpu.memory_space<vmem>>, vector<1024x8xf32>
    %iota3A = tpu.iota {dimensions = array<i32: 1>} : vector<1024x8xi32>
    %reduce_max3A = arith.constant dense<0xFF800000> : vector<1024xf32>
    %reduce_max3A_2 = vector.multi_reduction <maximumf>, %get3A_1, %reduce_max3A [1] : vector<1024x8xf32> to vector<1024xf32>
    %broadcast_in_dim3A = vector.shape_cast %reduce_max3A_2 : vector<1024xf32> to vector<1024x1xf32>
    %eq3A = vector.broadcast %broadcast_in_dim3A : vector<1024x1xf32> to vector<1024x8xf32>
    %eq3A_3 = arith.cmpf oeq, %get3A_1, %eq3A : vector<1024x8xf32>
    %jit3A = arith.constant 8 : i32
    %broadcast_in_dim3A_4 = vector.broadcast %jit3A : i32 to vector<1024x8xi32>
    %select_n3A = arith.select %eq3A_3, %iota3A, %broadcast_in_dim3A_4 : vector<1024x8xi1>, vector<1024x8xi32>
    %reduce_min3A = arith.constant dense<2147483647> : vector<1024xi32>
    %reduce_min3A_5 = vector.multi_reduction <minsi>, %select_n3A, %reduce_min3A [1] : vector<1024x8xi32> to vector<1024xi32>
    %broadcast_in_dim3A_6 = vector.shape_cast %reduce_min3A_5 : vector<1024xi32> to vector<1024x1xi32>
    %abs3A = math.absf %get3A_1 : vector<1024x8xf32>
    %max3A = vector.broadcast %broadcast_in_dim3A : vector<1024x1xf32> to vector<1024x8xf32>
    %max3A_7 = arith.maximumf %abs3A, %max3A : vector<1024x8xf32>
    %sub3A = vector.broadcast %broadcast_in_dim3A : vector<1024x1xf32> to vector<1024x8xf32>
    %sub3A_8 = arith.subf %sub3A, %get3A_1 : vector<1024x8xf32>
    %div3A = arith.divf %sub3A_8, %max3A_7 : vector<1024x8xf32>
    %gt3A = arith.constant 2.000000e-02 : f32
    %gt3A_9 = vector.broadcast %gt3A : f32 to vector<1024x8xf32>
    %gt3A_10 = arith.cmpf ogt, %div3A, %gt3A_9 : vector<1024x8xf32>
    %jit3A_11 = arith.constant 0xFF800000 : f32
    %broadcast_in_dim3A_12 = vector.broadcast %jit3A_11 : f32 to vector<1024x8xf32>
    %select_n3A_13 = arith.select %gt3A_10, %broadcast_in_dim3A_12, %get3A_1 : vector<1024x8xi1>, vector<1024x8xf32>
    %sub3A_14 = vector.broadcast %broadcast_in_dim3A : vector<1024x1xf32> to vector<1024x8xf32>
    %sub3A_15 = arith.subf %select_n3A_13, %sub3A_14 : vector<1024x8xf32>
    %exp3A = math.exp %sub3A_15 : vector<1024x8xf32>
    %reduce_sum3A = arith.constant dense<0.000000e+00> : vector<1024xf32>
    %reduce_sum3A_16 = vector.multi_reduction <add>, %exp3A, %reduce_sum3A [1] : vector<1024x8xf32> to vector<1024xf32>
    %broadcast_in_dim3A_17 = vector.shape_cast %reduce_sum3A_16 : vector<1024xf32> to vector<1024x1xf32>
    %div3A_18 = vector.broadcast %broadcast_in_dim3A_17 : vector<1024x1xf32> to vector<1024x8xf32>
    %div3A_19 = arith.divf %exp3A, %div3A_18 : vector<1024x8xf32>
    %eq3A_20 = vector.broadcast %broadcast_in_dim3A_6 : vector<1024x1xi32> to vector<1024x8xi32>
    %eq3A_21 = arith.cmpi eq, %iota3A, %eq3A_20 : vector<1024x8xi32>
    %jit3A_22 = arith.constant 0.000000e+00 : f32
    %broadcast_in_dim3A_23 = vector.broadcast %jit3A_22 : f32 to vector<1024x8xf32>
    %select_n3A_24 = arith.select %eq3A_21, %div3A_19, %broadcast_in_dim3A_23 : vector<1024x8xi1>, vector<1024x8xf32>
    %reduce_sum3A_25 = arith.constant dense<0.000000e+00> : vector<1024xf32>
    %reduce_sum3A_26 = vector.multi_reduction <add>, %select_n3A_24, %reduce_sum3A_25 [1] : vector<1024x8xf32> to vector<1024xf32>
    %broadcast_in_dim3A_27 = vector.shape_cast %reduce_sum3A_26 : vector<1024xf32> to vector<1024x1xf32>
    %eq3A_28 = vector.broadcast %broadcast_in_dim3A_6 : vector<1024x1xi32> to vector<1024x8xi32>
    %eq3A_29 = arith.cmpi eq, %iota3A, %eq3A_28 : vector<1024x8xi32>
    %jit3A_30 = arith.constant 0xFF800000 : f32
    %broadcast_in_dim3A_31 = vector.broadcast %jit3A_30 : f32 to vector<1024x8xf32>
    %select_n3A_32 = arith.select %eq3A_29, %broadcast_in_dim3A_31, %get3A_1 : vector<1024x8xi1>, vector<1024x8xf32>
    %reduce_max3A_33 = arith.constant dense<0xFF800000> : vector<1024xf32>
    %reduce_max3A_34 = vector.multi_reduction <maximumf>, %select_n3A_32, %reduce_max3A_33 [1] : vector<1024x8xf32> to vector<1024xf32>
    %broadcast_in_dim3A_35 = vector.shape_cast %reduce_max3A_34 : vector<1024xf32> to vector<1024x1xf32>
    %eq3A_36 = vector.broadcast %broadcast_in_dim3A_35 : vector<1024x1xf32> to vector<1024x8xf32>
    %eq3A_37 = arith.cmpf oeq, %select_n3A_32, %eq3A_36 : vector<1024x8xf32>
    %jit3A_38 = arith.constant 8 : i32
    %broadcast_in_dim3A_39 = vector.broadcast %jit3A_38 : i32 to vector<1024x8xi32>
    %select_n3A_40 = arith.select %eq3A_37, %iota3A, %broadcast_in_dim3A_39 : vector<1024x8xi1>, vector<1024x8xi32>
    %reduce_min3A_41 = arith.constant dense<2147483647> : vector<1024xi32>
    %reduce_min3A_42 = vector.multi_reduction <minsi>, %select_n3A_40, %reduce_min3A_41 [1] : vector<1024x8xi32> to vector<1024xi32>
    %broadcast_in_dim3A_43 = vector.shape_cast %reduce_min3A_42 : vector<1024xi32> to vector<1024x1xi32>
    %abs3A_44 = math.absf %get3A_1 : vector<1024x8xf32>
    %max3A_45 = vector.broadcast %broadcast_in_dim3A_35 : vector<1024x1xf32> to vector<1024x8xf32>
    %max3A_46 = arith.maximumf %abs3A_44, %max3A_45 : vector<1024x8xf32>
    %sub3A_47 = vector.broadcast %broadcast_in_dim3A_35 : vector<1024x1xf32> to vector<1024x8xf32>
    %sub3A_48 = arith.subf %sub3A_47, %get3A_1 : vector<1024x8xf32>
    %div3A_49 = arith.divf %sub3A_48, %max3A_46 : vector<1024x8xf32>
    %gt3A_50 = arith.constant 2.000000e-02 : f32
    %gt3A_51 = vector.broadcast %gt3A_50 : f32 to vector<1024x8xf32>
    %gt3A_52 = arith.cmpf ogt, %div3A_49, %gt3A_51 : vector<1024x8xf32>
    %jit3A_53 = arith.constant 0xFF800000 : f32
    %broadcast_in_dim3A_54 = vector.broadcast %jit3A_53 : f32 to vector<1024x8xf32>
    %select_n3A_55 = arith.select %gt3A_52, %broadcast_in_dim3A_54, %select_n3A_32 : vector<1024x8xi1>, vector<1024x8xf32>
    %sub3A_56 = vector.broadcast %broadcast_in_dim3A_35 : vector<1024x1xf32> to vector<1024x8xf32>
    %sub3A_57 = arith.subf %select_n3A_55, %sub3A_56 : vector<1024x8xf32>
    %exp3A_58 = math.exp %sub3A_57 : vector<1024x8xf32>
    %reduce_sum3A_59 = arith.constant dense<0.000000e+00> : vector<1024xf32>
    %reduce_sum3A_60 = vector.multi_reduction <add>, %exp3A_58, %reduce_sum3A_59 [1] : vector<1024x8xf32> to vector<1024xf32>
    %broadcast_in_dim3A_61 = vector.shape_cast %reduce_sum3A_60 : vector<1024xf32> to vector<1024x1xf32>
    %div3A_62 = vector.broadcast %broadcast_in_dim3A_61 : vector<1024x1xf32> to vector<1024x8xf32>
    %div3A_63 = arith.divf %exp3A_58, %div3A_62 : vector<1024x8xf32>
    %eq3A_64 = vector.broadcast %broadcast_in_dim3A_43 : vector<1024x1xi32> to vector<1024x8xi32>
    %eq3A_65 = arith.cmpi eq, %iota3A, %eq3A_64 : vector<1024x8xi32>
    %jit3A_66 = arith.constant 0.000000e+00 : f32
    %broadcast_in_dim3A_67 = vector.broadcast %jit3A_66 : f32 to vector<1024x8xf32>
    %select_n3A_68 = arith.select %eq3A_65, %div3A_63, %broadcast_in_dim3A_67 : vector<1024x8xi1>, vector<1024x8xf32>
    %reduce_sum3A_69 = arith.constant dense<0.000000e+00> : vector<1024xf32>
    %reduce_sum3A_70 = vector.multi_reduction <add>, %select_n3A_68, %reduce_sum3A_69 [1] : vector<1024x8xf32> to vector<1024xf32>
    %broadcast_in_dim3A_71 = vector.shape_cast %reduce_sum3A_70 : vector<1024xf32> to vector<1024x1xf32>
    %swap3A = arith.constant 0 : index
    %swap3A_72 = arith.constant 0 : index
    %swap3A_73 = vector.load %arg3[%swap3A, %swap3A_72] : memref<1024x1xf32, #tpu.memory_space<vmem>>, vector<1024x1xf32>
    tpu.vector_store %arg3[%swap3A, %swap3A_72], %broadcast_in_dim3A_27 {strides = array<i32>} : memref<1024x1xf32, #tpu.memory_space<vmem>>, vector<1024x1xf32>,
    %swap3A_74 = arith.constant 0 : index
    %swap3A_75 = arith.constant 0 : index
    %swap3A_76 = vector.load %arg4[%swap3A_74, %swap3A_75] : memref<1024x1xf32, #tpu.memory_space<vmem>>, vector<1024x1xf32>
    tpu.vector_store %arg4[%swap3A_74, %swap3A_75], %broadcast_in_dim3A_71 {strides = array<i32>} : memref<1024x1xf32, #tpu.memory_space<vmem>>, vector<1024x1xf32>,
    %eq3A_77 = vector.broadcast %broadcast_in_dim3A_6 : vector<1024x1xi32> to vector<1024x8xi32>
    %eq3A_78 = arith.cmpi eq, %iota3A, %eq3A_77 : vector<1024x8xi32>
    %eq3A_79 = vector.broadcast %broadcast_in_dim3A_43 : vector<1024x1xi32> to vector<1024x8xi32>
    %eq3A_80 = arith.cmpi eq, %iota3A, %eq3A_79 : vector<1024x8xi32>
    %convert_element_type3A = arith.extui %eq3A_78 : vector<1024x8xi1> to vector<1024x8xi32>
    %convert_element_type3A_81 = arith.sitofp %convert_element_type3A : vector<1024x8xi32> to vector<1024x8xf32>
    %convert_element_type3A_82 = arith.truncf %convert_element_type3A_81 : vector<1024x8xf32> to vector<1024x8xbf16>
    %convert_element_type3A_83 = arith.extui %eq3A_80 : vector<1024x8xi1> to vector<1024x8xi32>
    %convert_element_type3A_84 = arith.sitofp %convert_element_type3A_83 : vector<1024x8xi32> to vector<1024x8xf32>
    %convert_element_type3A_85 = arith.truncf %convert_element_type3A_84 : vector<1024x8xf32> to vector<1024x8xbf16>
    %add3A = arith.addf %convert_element_type3A_82, %convert_element_type3A_85 : vector<1024x8xbf16>
    %convert_element_type3A_86 = arith.extui %eq3A_78 : vector<1024x8xi1> to vector<1024x8xi32>
    %convert_element_type3A_87 = arith.sitofp %convert_element_type3A_86 : vector<1024x8xi32> to vector<1024x8xf32>
    %convert_element_type3A_88 = arith.extui %eq3A_80 : vector<1024x8xi1> to vector<1024x8xi32>
    %convert_element_type3A_89 = arith.sitofp %convert_element_type3A_88 : vector<1024x8xi32> to vector<1024x8xf32>
    %add3A_90 = arith.addf %convert_element_type3A_87, %convert_element_type3A_89 : vector<1024x8xf32>
    %reduce_sum3A_91 = arith.constant dense<0.000000e+00> : vector<8xf32>
    %reduce_sum3A_92 = vector.multi_reduction <add>, %add3A_90, %reduce_sum3A_91 [0] : vector<1024x8xf32> to vector<8xf32>
    %broadcast_in_dim3A_93 = vector.shape_cast %reduce_sum3A_92 : vector<8xf32> to vector<1x8xf32>
    %convert_element_type3A_94 = arith.fptosi %broadcast_in_dim3A_93 : vector<1x8xf32> to vector<1x8xi32>
    %add3A_95 = arith.constant 128 : i32
    %add3A_96 = vector.broadcast %add3A_95 : i32 to vector<1x8xi32>
    %add3A_97 = arith.addi %convert_element_type3A_94, %add3A_96 : vector<1x8xi32>
    %sub3A_98 = arith.constant 1 : i32
    %sub3A_99 = vector.broadcast %sub3A_98 : i32 to vector<1x8xi32>
    %sub3A_100 = arith.subi %add3A_97, %sub3A_99 : vector<1x8xi32>
    %shift_right_arithmetic3A = arith.constant 7 : i32
    %shift_right_arithmetic3A_101 = vector.broadcast %shift_right_arithmetic3A : i32 to vector<1x8xi32>
    %shift_right_arithmetic3A_102 = arith.shrsi %sub3A_100, %shift_right_arithmetic3A_101 : vector<1x8xi32>
    %shift_left3A = arith.constant 7 : i32
    %shift_left3A_103 = vector.broadcast %shift_left3A : i32 to vector<1x8xi32>
    %shift_left3A_104 = arith.shli %shift_right_arithmetic3A_102, %shift_left3A_103 : vector<1x8xi32>
    %iota3A_105 = tpu.iota {dimensions = array<i32: 0>} : vector<8x8xi32>
    %iota3A_106 = tpu.iota {dimensions = array<i32: 1>} : vector<8x8xi32>
    %convert_element_type3A_107 = arith.sitofp %shift_left3A_104 : vector<1x8xi32> to vector<1x8xbf16>
    %le3A = arith.cmpi sle, %iota3A_105, %iota3A_106 : vector<8x8xi32>
    %convert_element_type3A_108 = arith.extui %le3A : vector<8x8xi1> to vector<8x8xi32>
    %convert_element_type3A_109 = arith.sitofp %convert_element_type3A_108 : vector<8x8xi32> to vector<8x8xf32>
    %convert_element_type3A_110 = arith.truncf %convert_element_type3A_109 : vector<8x8xf32> to vector<8x8xbf16>
    %dot_general3A = arith.constant dense<0.000000e+00> : vector<1x8xf32>
    %dot_general3A_111 = tpu.matmul %convert_element_type3A_107, %convert_element_type3A_110, %dot_general3A {dimension_numbers = #tpu.dot_dimension_numbers<[1], [0], [0], [1], [0, 0, 1, 1], [], []>, transpose_lhs_hint = false} : vector<1x8xbf16>, vector<8x8xbf16>, vector<1x8xf32> -> vector<1x8xf32>
    %convert_element_type3A_112 = arith.fptosi %dot_general3A_111 : vector<1x8xf32> to vector<1x8xi32>
    %sub3A_113 = arith.subi %convert_element_type3A_112, %shift_left3A_104 : vector<1x8xi32>
    %iota3A_114 = tpu.iota {dimensions = array<i32: 0>} : vector<1024x1024xi32>
    %iota3A_115 = tpu.iota {dimensions = array<i32: 1>} : vector<1024x1024xi32>
    %lt3A = arith.cmpi slt, %iota3A_115, %iota3A_114 : vector<1024x1024xi32>
    %convert_element_type3A_116 = arith.extui %lt3A : vector<1024x1024xi1> to vector<1024x1024xi32>
    %convert_element_type3A_117 = arith.sitofp %convert_element_type3A_116 : vector<1024x1024xi32> to vector<1024x1024xf32>
    %convert_element_type3A_118 = arith.truncf %convert_element_type3A_117 : vector<1024x1024xf32> to vector<1024x1024xbf16>
    %dot_general3A_119 = arith.constant dense<0.000000e+00> : vector<1024x8xf32>
    %dot_general3A_120 = tpu.matmul %convert_element_type3A_118, %add3A, %dot_general3A_119 {dimension_numbers = #tpu.dot_dimension_numbers<[1], [0], [0], [1], [0, 0, 1, 1], [], []>, transpose_lhs_hint = false} : vector<1024x1024xbf16>, vector<1024x8xbf16>, vector<1024x8xf32> -> vector<1024x8xf32>
    %convert_element_type3A_121 = arith.fptosi %dot_general3A_120 : vector<1024x8xf32> to vector<1024x8xi32>
    %eq3A_122 = vector.broadcast %broadcast_in_dim3A_6 : vector<1024x1xi32> to vector<1024x8xi32>
    %eq3A_123 = arith.cmpi eq, %iota3A, %eq3A_122 : vector<1024x8xi32>
    %jit3A_124 = arith.constant 0 : i32
    %broadcast_in_dim3A_125 = vector.shape_cast %sub3A_113 : vector<1x8xi32> to vector<1x8xi32>
    %broadcast_in_dim3A_126 = vector.broadcast %broadcast_in_dim3A_125 : vector<1x8xi32> to vector<1024x8xi32>
    %broadcast_in_dim3A_127 = vector.broadcast %jit3A_124 : i32 to vector<1024x8xi32>
    %select_n3A_128 = arith.select %eq3A_123, %broadcast_in_dim3A_126, %broadcast_in_dim3A_127 : vector<1024x8xi1>, vector<1024x8xi32>
    %reduce_sum3A_129 = arith.constant dense<0> : vector<1024xi32>
    %reduce_sum3A_130 = vector.multi_reduction <add>, %select_n3A_128, %reduce_sum3A_129 [1] : vector<1024x8xi32> to vector<1024xi32>
    %broadcast_in_dim3A_131 = vector.shape_cast %reduce_sum3A_130 : vector<1024xi32> to vector<1024x1xi32>
    %eq3A_132 = vector.broadcast %broadcast_in_dim3A_43 : vector<1024x1xi32> to vector<1024x8xi32>
    %eq3A_133 = arith.cmpi eq, %iota3A, %eq3A_132 : vector<1024x8xi32>
    %jit3A_134 = arith.constant 0 : i32
    %broadcast_in_dim3A_135 = vector.shape_cast %sub3A_113 : vector<1x8xi32> to vector<1x8xi32>
    %broadcast_in_dim3A_136 = vector.broadcast %broadcast_in_dim3A_135 : vector<1x8xi32> to vector<1024x8xi32>
    %broadcast_in_dim3A_137 = vector.broadcast %jit3A_134 : i32 to vector<1024x8xi32>
    %select_n3A_138 = arith.select %eq3A_133, %broadcast_in_dim3A_136, %broadcast_in_dim3A_137 : vector<1024x8xi1>, vector<1024x8xi32>
    %reduce_sum3A_139 = arith.constant dense<0> : vector<1024xi32>
    %reduce_sum3A_140 = vector.multi_reduction <add>, %select_n3A_138, %reduce_sum3A_139 [1] : vector<1024x8xi32> to vector<1024xi32>
    %broadcast_in_dim3A_141 = vector.shape_cast %reduce_sum3A_140 : vector<1024xi32> to vector<1024x1xi32>
    %eq3A_142 = vector.broadcast %broadcast_in_dim3A_6 : vector<1024x1xi32> to vector<1024x8xi32>
    %eq3A_143 = arith.cmpi eq, %iota3A, %eq3A_142 : vector<1024x8xi32>
    %jit3A_144 = arith.constant 0 : i32
    %broadcast_in_dim3A_145 = vector.broadcast %jit3A_144 : i32 to vector<1024x8xi32>
    %select_n3A_146 = arith.select %eq3A_143, %convert_element_type3A_121, %broadcast_in_dim3A_145 : vector<1024x8xi1>, vector<1024x8xi32>
    %reduce_sum3A_147 = arith.constant dense<0> : vector<1024xi32>
    %reduce_sum3A_148 = vector.multi_reduction <add>, %select_n3A_146, %reduce_sum3A_147 [1] : vector<1024x8xi32> to vector<1024xi32>
    %broadcast_in_dim3A_149 = vector.shape_cast %reduce_sum3A_148 : vector<1024xi32> to vector<1024x1xi32>
    %eq3A_150 = vector.broadcast %broadcast_in_dim3A_43 : vector<1024x1xi32> to vector<1024x8xi32>
    %eq3A_151 = arith.cmpi eq, %iota3A, %eq3A_150 : vector<1024x8xi32>
    %jit3A_152 = arith.constant 0 : i32
    %broadcast_in_dim3A_153 = vector.broadcast %jit3A_152 : i32 to vector<1024x8xi32>
    %select_n3A_154 = arith.select %eq3A_151, %convert_element_type3A_121, %broadcast_in_dim3A_153 : vector<1024x8xi1>, vector<1024x8xi32>
    %reduce_sum3A_155 = arith.constant dense<0> : vector<1024xi32>
    %reduce_sum3A_156 = vector.multi_reduction <add>, %select_n3A_154, %reduce_sum3A_155 [1] : vector<1024x8xi32> to vector<1024xi32>
    %broadcast_in_dim3A_157 = vector.shape_cast %reduce_sum3A_156 : vector<1024xi32> to vector<1024x1xi32>
    %add3A_158 = arith.addi %broadcast_in_dim3A_131, %broadcast_in_dim3A_149 : vector<1024x1xi32>
    %swap3A_159 = arith.constant 0 : index
    %swap3A_160 = arith.constant 0 : index
    %swap3A_161 = vector.load %arg1[%swap3A_159, %swap3A_160] : memref<1024x1xi32, #tpu.memory_space<vmem>>, vector<1024x1xi32>
    tpu.vector_store %arg1[%swap3A_159, %swap3A_160], %add3A_158 {strides = array<i32>} : memref<1024x1xi32, #tpu.memory_space<vmem>>, vector<1024x1xi32>,
    %add3A_162 = arith.addi %broadcast_in_dim3A_141, %broadcast_in_dim3A_157 : vector<1024x1xi32>
    %swap3A_163 = arith.constant 0 : index
    %swap3A_164 = arith.constant 0 : index
    %swap3A_165 = vector.load %arg2[%swap3A_163, %swap3A_164] : memref<1024x1xi32, #tpu.memory_space<vmem>>, vector<1024x1xi32>
    tpu.vector_store %arg2[%swap3A_163, %swap3A_164], %add3A_162 {strides = array<i32>} : memref<1024x1xi32, #tpu.memory_space<vmem>>, vector<1024x1xi32>,
    %iota3A_166 = tpu.iota {dimensions = array<i32: 0>} : vector<32x8xi32>
    %mul3A = arith.constant 128 : i32
    %mul3A_167 = vector.broadcast %mul3A : i32 to vector<32x8xi32>
    %mul3A_168 = arith.muli %iota3A_166, %mul3A_167 : vector<32x8xi32>
    %broadcast_in_dim3A_169 = vector.shape_cast %convert_element_type3A_112 : vector<1x8xi32> to vector<1x8xi32>
    %broadcast_in_dim3A_170 = vector.broadcast %broadcast_in_dim3A_169 : vector<1x8xi32> to vector<32x8xi32>
    %ge3A = arith.cmpi sge, %mul3A_168, %broadcast_in_dim3A_170 : vector<32x8xi32>
    %convert_element_type3A_171 = arith.extui %ge3A : vector<32x8xi1> to vector<32x8xi32>
    %reduce_sum3A_172 = arith.constant dense<0> : vector<32xi32>
    %reduce_sum3A_173 = vector.multi_reduction <add>, %convert_element_type3A_171, %reduce_sum3A_172 [1] : vector<32x8xi32> to vector<32xi32>
    %broadcast_in_dim3A_174 = vector.shape_cast %reduce_sum3A_173 : vector<32xi32> to vector<32x1xi32>
    %min3A = arith.constant 7 : i32
    %min3A_175 = vector.broadcast %min3A : i32 to vector<32x1xi32>
    %min3A_176 = arith.minsi %broadcast_in_dim3A_174, %min3A_175 : vector<32x1xi32>
    %swap3A_177 = arith.constant 0 : index
    %swap3A_178 = arith.constant 0 : index
    %swap3A_179 = vector.load %arg5[%swap3A_177, %swap3A_178] : memref<32x1xi32, #tpu.memory_space<vmem>>, vector<32x1xi32>
    tpu.vector_store %arg5[%swap3A_177, %swap3A_178], %min3A_176 {strides = array<i32>} : memref<32x1xi32, #tpu.memory_space<vmem>>, vector<32x1xi32>,
    return
  }
}

module attributes {stable_mosaic.version = 14 : i64} {
  func.func @_build_body(%arg0: i32, %arg1: memref<1x1024xi32, #tpu.memory_space<vmem>>, %arg2: memref<1x1024xi32, #tpu.memory_space<vmem>>, %arg3: memref<1x1024xf32, #tpu.memory_space<vmem>>, %arg4: memref<1x1024xf32, #tpu.memory_space<vmem>>, %arg5: memref<1024x2048xf32, #tpu.memory_space<vmem>>, %arg6: memref<512x2048xf32, #tpu.memory_space<vmem>>, %arg7: memref<512x1xf32, #tpu.memory_space<vmem>>) attributes {dimension_semantics = [#tpu.dimension_semantics<arbitrary>], iteration_bounds = array<i64: 6>, scalar_prefetch = 0 : i64, scratch_operands = 0 : i64, tpu.core_type = #tpu.core_type<tc>, window_params = [{pipeline_mode = #tpu.pipeline_mode<synchronous>, transform_indices = @transform_0, window_bounds = array<i64: 1, 1024>}, {pipeline_mode = #tpu.pipeline_mode<synchronous>, transform_indices = @transform_1, window_bounds = array<i64: 1, 1024>}, {pipeline_mode = #tpu.pipeline_mode<synchronous>, transform_indices = @transform_2, window_bounds = array<i64: 1, 1024>}, {pipeline_mode = #tpu.pipeline_mode<synchronous>, transform_indices = @transform_3, window_bounds = array<i64: 1, 1024>}, {pipeline_mode = #tpu.pipeline_mode<synchronous>, transform_indices = @transform_4, window_bounds = array<i64: 1024, 2048>}, {transform_indices = @transform_5, window_bounds = array<i64: 512, 2048>}, {transform_indices = @transform_6, window_bounds = array<i64: 512, 1>}]} {
    %get3A = arith.constant 0 : index
    %get3A_0 = arith.constant 0 : index
    %get3A_1 = vector.load %arg1[%get3A, %get3A_0] : memref<1x1024xi32, #tpu.memory_space<vmem>>, vector<1x1024xi32>
    %get3A_2 = arith.constant 0 : index
    %get3A_3 = arith.constant 0 : index
    %get3A_4 = vector.load %arg2[%get3A_2, %get3A_3] : memref<1x1024xi32, #tpu.memory_space<vmem>>, vector<1x1024xi32>
    %iota3A = tpu.iota {dimensions = array<i32: 0>} : vector<512x1024xi32>
    %mul3A = arith.constant 512 : i32
    %mul3A_5 = arith.muli %arg0, %mul3A : i32
    %add3A = vector.broadcast %mul3A_5 : i32 to vector<512x1024xi32>
    %add3A_6 = arith.addi %iota3A, %add3A : vector<512x1024xi32>
    %eq3A = vector.broadcast %get3A_1 : vector<1x1024xi32> to vector<512x1024xi32>
    %eq3A_7 = arith.cmpi eq, %add3A_6, %eq3A : vector<512x1024xi32>
    %eq3A_8 = vector.broadcast %get3A_4 : vector<1x1024xi32> to vector<512x1024xi32>
    %eq3A_9 = arith.cmpi eq, %add3A_6, %eq3A_8 : vector<512x1024xi32>
    %convert_element_type3A = arith.extui %eq3A_7 : vector<512x1024xi1> to vector<512x1024xi32>
    %convert_element_type3A_10 = arith.sitofp %convert_element_type3A : vector<512x1024xi32> to vector<512x1024xf32>
    %convert_element_type3A_11 = arith.truncf %convert_element_type3A_10 : vector<512x1024xf32> to vector<512x1024xbf16>
    %convert_element_type3A_12 = arith.extui %eq3A_9 : vector<512x1024xi1> to vector<512x1024xi32>
    %convert_element_type3A_13 = arith.sitofp %convert_element_type3A_12 : vector<512x1024xi32> to vector<512x1024xf32>
    %convert_element_type3A_14 = arith.truncf %convert_element_type3A_13 : vector<512x1024xf32> to vector<512x1024xbf16>
    %add3A_15 = arith.addf %convert_element_type3A_11, %convert_element_type3A_14 : vector<512x1024xbf16>
    %get3A_16 = arith.constant 0 : index
    %get3A_17 = arith.constant 0 : index
    %get3A_18 = vector.load %arg5[%get3A_16, %get3A_17] : memref<1024x2048xf32, #tpu.memory_space<vmem>>, vector<1024x2048xf32>
    %dot_general3A = arith.constant dense<0.000000e+00> : vector<512x2048xf32>
    %dot_general3A_19 = tpu.matmul %add3A_15, %get3A_18, %dot_general3A {dimension_numbers = #tpu.dot_dimension_numbers<[1], [0], [0], [1], [0, 0, 1, 1], [], []>, transpose_lhs_hint = false} : vector<512x1024xbf16>, vector<1024x2048xf32>, vector<512x2048xf32> -> vector<512x2048xf32>
    %swap3A = arith.constant 0 : index
    %swap3A_20 = arith.constant 0 : index
    %swap3A_21 = vector.load %arg6[%swap3A, %swap3A_20] : memref<512x2048xf32, #tpu.memory_space<vmem>>, vector<512x2048xf32>
    tpu.vector_store %arg6[%swap3A, %swap3A_20], %dot_general3A_19 {strides = array<i32>} : memref<512x2048xf32, #tpu.memory_space<vmem>>, vector<512x2048xf32>,
    %get3A_22 = arith.constant 0 : index
    %get3A_23 = arith.constant 0 : index
    %get3A_24 = vector.load %arg3[%get3A_22, %get3A_23] : memref<1x1024xf32, #tpu.memory_space<vmem>>, vector<1x1024xf32>
    %jit3A = arith.constant 0.000000e+00 : f32
    %broadcast_in_dim3A = vector.shape_cast %get3A_24 : vector<1x1024xf32> to vector<1x1024xf32>
    %broadcast_in_dim3A_25 = vector.broadcast %broadcast_in_dim3A : vector<1x1024xf32> to vector<512x1024xf32>
    %broadcast_in_dim3A_26 = vector.broadcast %jit3A : f32 to vector<512x1024xf32>
    %select_n3A = arith.select %eq3A_7, %broadcast_in_dim3A_25, %broadcast_in_dim3A_26 : vector<512x1024xi1>, vector<512x1024xf32>
    %reduce_sum3A = arith.constant dense<0.000000e+00> : vector<512xf32>
    %reduce_sum3A_27 = vector.multi_reduction <add>, %select_n3A, %reduce_sum3A [1] : vector<512x1024xf32> to vector<512xf32>
    %broadcast_in_dim3A_28 = vector.shape_cast %reduce_sum3A_27 : vector<512xf32> to vector<512x1xf32>
    %get3A_29 = arith.constant 0 : index
    %get3A_30 = arith.constant 0 : index
    %get3A_31 = vector.load %arg4[%get3A_29, %get3A_30] : memref<1x1024xf32, #tpu.memory_space<vmem>>, vector<1x1024xf32>
    %jit3A_32 = arith.constant 0.000000e+00 : f32
    %broadcast_in_dim3A_33 = vector.shape_cast %get3A_31 : vector<1x1024xf32> to vector<1x1024xf32>
    %broadcast_in_dim3A_34 = vector.broadcast %broadcast_in_dim3A_33 : vector<1x1024xf32> to vector<512x1024xf32>
    %broadcast_in_dim3A_35 = vector.broadcast %jit3A_32 : f32 to vector<512x1024xf32>
    %select_n3A_36 = arith.select %eq3A_9, %broadcast_in_dim3A_34, %broadcast_in_dim3A_35 : vector<512x1024xi1>, vector<512x1024xf32>
    %reduce_sum3A_37 = arith.constant dense<0.000000e+00> : vector<512xf32>
    %reduce_sum3A_38 = vector.multi_reduction <add>, %select_n3A_36, %reduce_sum3A_37 [1] : vector<512x1024xf32> to vector<512xf32>
    %broadcast_in_dim3A_39 = vector.shape_cast %reduce_sum3A_38 : vector<512xf32> to vector<512x1xf32>
    %add3A_40 = arith.addf %broadcast_in_dim3A_28, %broadcast_in_dim3A_39 : vector<512x1xf32>
    %swap3A_41 = arith.constant 0 : index
    %swap3A_42 = arith.constant 0 : index
    %swap3A_43 = vector.load %arg7[%swap3A_41, %swap3A_42] : memref<512x1xf32, #tpu.memory_space<vmem>>, vector<512x1xf32>
    tpu.vector_store %arg7[%swap3A_41, %swap3A_42], %add3A_40 {strides = array<i32>} : memref<512x1xf32, #tpu.memory_space<vmem>>, vector<512x1xf32>,
    return
  }
  func.func @transform_0(%arg0: i32) -> (i32, i32) {
    %c0_i32 = arith.constant 0 : i32
    %c0_i32_0 = arith.constant 0 : i32
    %c0_i32_1 = arith.constant 0 : i32
    return %c0_i32, %c0_i32_0 : i32, i32
  }
  func.func @transform_1(%arg0: i32) -> (i32, i32) {
    %c0_i32 = arith.constant 0 : i32
    %c0_i32_0 = arith.constant 0 : i32
    %c0_i32_1 = arith.constant 0 : i32
    return %c0_i32, %c0_i32_0 : i32, i32
  }
  func.func @transform_2(%arg0: i32) -> (i32, i32) {
    %c0_i32 = arith.constant 0 : i32
    %c0_i32_0 = arith.constant 0 : i32
    %c0_i32_1 = arith.constant 0 : i32
    return %c0_i32, %c0_i32_0 : i32, i32
  }
  func.func @transform_3(%arg0: i32) -> (i32, i32) {
    %c0_i32 = arith.constant 0 : i32
    %c0_i32_0 = arith.constant 0 : i32
    %c0_i32_1 = arith.constant 0 : i32
    return %c0_i32, %c0_i32_0 : i32, i32
  }
  func.func @transform_4(%arg0: i32) -> (i32, i32) {
    %c0_i32 = arith.constant 0 : i32
    %c0_i32_0 = arith.constant 0 : i32
    %c0_i32_1 = arith.constant 0 : i32
    return %c0_i32, %c0_i32_0 : i32, i32
  }
  func.func @transform_5(%arg0: i32) -> (i32, i32) {
    %c0_i32 = arith.constant 0 : i32
    %c0_i32_0 = arith.constant 0 : i32
    return %arg0, %c0_i32 : i32, i32
  }
  func.func @transform_6(%arg0: i32) -> (i32, i32) {
    %c0_i32 = arith.constant 0 : i32
    %c0_i32_0 = arith.constant 0 : i32
    return %arg0, %c0_i32 : i32, i32
  }
}

module attributes {stable_mosaic.version = 14 : i64} {
  func.func @_ffn_a_body(%arg0: i32, %arg1: i32, %arg2: memref<32xi32, #tpu.memory_space<smem>>, %arg3: memref<128x2048xf32, #tpu.memory_space<vmem>>, %arg4: memref<1x512x2048xf32, #tpu.memory_space<vmem>>, %arg5: memref<1x512x2048xf32, #tpu.memory_space<vmem>>, %arg6: memref<128x512xf32, #tpu.memory_space<vmem>>) attributes {dimension_semantics = [#tpu.dimension_semantics<arbitrary>, #tpu.dimension_semantics<arbitrary>], iteration_bounds = array<i64: 4, 24>, scalar_prefetch = 1 : i64, scratch_operands = 0 : i64, tpu.core_type = #tpu.core_type<tc>, window_params = [{transform_indices = @transform_0, window_bounds = array<i64: 128, 2048>}, {transform_indices = @transform_1, window_bounds = array<i64: 1, 512, 2048>}, {transform_indices = @transform_2, window_bounds = array<i64: 1, 512, 2048>}, {transform_indices = @transform_3, window_bounds = array<i64: 128, 512>}]} {
    %get3A = arith.constant 0 : index
    %get3A_0 = arith.constant 0 : index
    %get3A_1 = vector.load %arg3[%get3A, %get3A_0] : memref<128x2048xf32, #tpu.memory_space<vmem>>, vector<128x2048xf32>
    %get3A_2 = arith.constant 0 : index
    %get3A_3 = arith.constant 0 : index
    %get3A_4 = arith.constant 0 : index
    %get3A_5 = vector.load %arg4[%get3A_2, %get3A_3, %get3A_4] : memref<1x512x2048xf32, #tpu.memory_space<vmem>>, vector<1x512x2048xf32>
    %get3A_6 = vector.shape_cast %get3A_5 : vector<1x512x2048xf32> to vector<512x2048xf32>
    %dot_general3A = arith.constant dense<0.000000e+00> : vector<128x512xf32>
    %dot_general3A_7 = tpu.matmul %get3A_1, %get3A_6, %dot_general3A {dimension_numbers = #tpu.dot_dimension_numbers<[1], [1], [0], [0], [0, 0, 1, 0], [], []>, transpose_lhs_hint = false} : vector<128x2048xf32>, vector<512x2048xf32>, vector<128x512xf32> -> vector<128x512xf32>
    %get3A_8 = arith.constant 0 : index
    %get3A_9 = arith.constant 0 : index
    %get3A_10 = arith.constant 0 : index
    %get3A_11 = vector.load %arg5[%get3A_8, %get3A_9, %get3A_10] : memref<1x512x2048xf32, #tpu.memory_space<vmem>>, vector<1x512x2048xf32>
    %get3A_12 = vector.shape_cast %get3A_11 : vector<1x512x2048xf32> to vector<512x2048xf32>
    %dot_general3A_13 = arith.constant dense<0.000000e+00> : vector<128x512xf32>
    %dot_general3A_14 = tpu.matmul %get3A_1, %get3A_12, %dot_general3A_13 {dimension_numbers = #tpu.dot_dimension_numbers<[1], [1], [0], [0], [0, 0, 1, 0], [], []>, transpose_lhs_hint = false} : vector<128x2048xf32>, vector<512x2048xf32>, vector<128x512xf32> -> vector<128x512xf32>
    %logistic3A = arith.negf %dot_general3A_7 : vector<128x512xf32>
    %logistic3A_15 = math.exp %logistic3A : vector<128x512xf32>
    %logistic3A_16 = arith.constant 1.000000e+00 : f32
    %logistic3A_17 = vector.broadcast %logistic3A_16 : f32 to vector<128x512xf32>
    %logistic3A_18 = arith.addf %logistic3A_17, %logistic3A_15 : vector<128x512xf32>
    %logistic3A_19 = arith.divf %logistic3A_17, %logistic3A_18 : vector<128x512xf32>
    %mul3A = arith.mulf %dot_general3A_7, %logistic3A_19 : vector<128x512xf32>
    %mul3A_20 = arith.mulf %mul3A, %dot_general3A_14 : vector<128x512xf32>
    %swap3A = arith.constant 0 : index
    %swap3A_21 = arith.constant 0 : index
    %swap3A_22 = vector.load %arg6[%swap3A, %swap3A_21] : memref<128x512xf32, #tpu.memory_space<vmem>>, vector<128x512xf32>
    tpu.vector_store %arg6[%swap3A, %swap3A_21], %mul3A_20 {strides = array<i32>} : memref<128x512xf32, #tpu.memory_space<vmem>>, vector<128x512xf32>,
    return
  }
  func.func @transform_0(%arg0: i32, %arg1: i32, %arg2: memref<32xi32, #tpu.memory_space<smem>>) -> (i32, i32) {
    %c0_i32 = arith.constant 0 : i32
    %c0_i32_0 = arith.constant 0 : i32
    return %arg1, %c0_i32 : i32, i32
  }
  func.func @transform_1(%arg0: i32, %arg1: i32, %arg2: memref<32xi32, #tpu.memory_space<smem>>) -> (i32, i32, i32) {
    %get3A = arith.index_cast %arg1 : i32 to index
    %get3A_0 = memref.load %arg2[%get3A] : memref<32xi32, #tpu.memory_space<smem>>
    %c0_i32 = arith.constant 0 : i32
    %c0_i32_1 = arith.constant 0 : i32
    return %get3A_0, %arg0, %c0_i32 : i32, i32, i32
  }
  func.func @transform_2(%arg0: i32, %arg1: i32, %arg2: memref<32xi32, #tpu.memory_space<smem>>) -> (i32, i32, i32) {
    %get3A = arith.index_cast %arg1 : i32 to index
    %get3A_0 = memref.load %arg2[%get3A] : memref<32xi32, #tpu.memory_space<smem>>
    %add3A = arith.constant 4 : i32
    %add3A_1 = arith.addi %arg0, %add3A : i32
    %c0_i32 = arith.constant 0 : i32
    %c0_i32_2 = arith.constant 0 : i32
    return %get3A_0, %add3A_1, %c0_i32 : i32, i32, i32
  }
  func.func @transform_3(%arg0: i32, %arg1: i32, %arg2: memref<32xi32, #tpu.memory_space<smem>>) -> (i32, i32) {
    %c0_i32 = arith.constant 0 : i32
    return %arg1, %arg0 : i32, i32
  }
}

module attributes {stable_mosaic.version = 14 : i64} {
  func.func @_ffn_b_body(%arg0: i32, %arg1: i32, %arg2: memref<32xi32, #tpu.memory_space<smem>>, %arg3: memref<128x2048xf32, #tpu.memory_space<vmem>>, %arg4: memref<1x1024x2048xf32, #tpu.memory_space<vmem>>, %arg5: memref<128x1xf32, #tpu.memory_space<vmem>>, %arg6: memref<128x1024xf32, #tpu.memory_space<vmem>>) attributes {dimension_semantics = [#tpu.dimension_semantics<arbitrary>, #tpu.dimension_semantics<arbitrary>], iteration_bounds = array<i64: 2, 24>, scalar_prefetch = 1 : i64, scratch_operands = 0 : i64, tpu.core_type = #tpu.core_type<tc>, window_params = [{transform_indices = @transform_0, window_bounds = array<i64: 128, 2048>}, {transform_indices = @transform_1, window_bounds = array<i64: 1, 1024, 2048>}, {transform_indices = @transform_2, window_bounds = array<i64: 128, 1>}, {transform_indices = @transform_3, window_bounds = array<i64: 128, 1024>}]} {
    %get3A = arith.constant 0 : index
    %get3A_0 = arith.constant 0 : index
    %get3A_1 = vector.load %arg3[%get3A, %get3A_0] : memref<128x2048xf32, #tpu.memory_space<vmem>>, vector<128x2048xf32>
    %get3A_2 = arith.constant 0 : index
    %get3A_3 = arith.constant 0 : index
    %get3A_4 = arith.constant 0 : index
    %get3A_5 = vector.load %arg4[%get3A_2, %get3A_3, %get3A_4] : memref<1x1024x2048xf32, #tpu.memory_space<vmem>>, vector<1x1024x2048xf32>
    %get3A_6 = vector.shape_cast %get3A_5 : vector<1x1024x2048xf32> to vector<1024x2048xf32>
    %dot_general3A = arith.constant dense<0.000000e+00> : vector<128x1024xf32>
    %dot_general3A_7 = tpu.matmul %get3A_1, %get3A_6, %dot_general3A {dimension_numbers = #tpu.dot_dimension_numbers<[1], [1], [0], [0], [0, 0, 1, 0], [], []>, transpose_lhs_hint = false} : vector<128x2048xf32>, vector<1024x2048xf32>, vector<128x1024xf32> -> vector<128x1024xf32>
    %get3A_8 = arith.constant 0 : index
    %get3A_9 = arith.constant 0 : index
    %get3A_10 = vector.load %arg5[%get3A_8, %get3A_9] : memref<128x1xf32, #tpu.memory_space<vmem>>, vector<128x1xf32>
    %mul3A = vector.broadcast %get3A_10 : vector<128x1xf32> to vector<128x1024xf32>
    %mul3A_11 = arith.mulf %dot_general3A_7, %mul3A : vector<128x1024xf32>
    %swap3A = arith.constant 0 : index
    %swap3A_12 = arith.constant 0 : index
    %swap3A_13 = vector.load %arg6[%swap3A, %swap3A_12] : memref<128x1024xf32, #tpu.memory_space<vmem>>, vector<128x1024xf32>
    tpu.vector_store %arg6[%swap3A, %swap3A_12], %mul3A_11 {strides = array<i32>} : memref<128x1024xf32, #tpu.memory_space<vmem>>, vector<128x1024xf32>,
    return
  }
  func.func @transform_0(%arg0: i32, %arg1: i32, %arg2: memref<32xi32, #tpu.memory_space<smem>>) -> (i32, i32) {
    %c0_i32 = arith.constant 0 : i32
    %c0_i32_0 = arith.constant 0 : i32
    return %arg1, %c0_i32 : i32, i32
  }
  func.func @transform_1(%arg0: i32, %arg1: i32, %arg2: memref<32xi32, #tpu.memory_space<smem>>) -> (i32, i32, i32) {
    %get3A = arith.index_cast %arg1 : i32 to index
    %get3A_0 = memref.load %arg2[%get3A] : memref<32xi32, #tpu.memory_space<smem>>
    %c0_i32 = arith.constant 0 : i32
    %c0_i32_1 = arith.constant 0 : i32
    return %get3A_0, %arg0, %c0_i32 : i32, i32, i32
  }
  func.func @transform_2(%arg0: i32, %arg1: i32, %arg2: memref<32xi32, #tpu.memory_space<smem>>) -> (i32, i32) {
    %c0_i32 = arith.constant 0 : i32
    %c0_i32_0 = arith.constant 0 : i32
    return %arg1, %c0_i32 : i32, i32
  }
  func.func @transform_3(%arg0: i32, %arg1: i32, %arg2: memref<32xi32, #tpu.memory_space<smem>>) -> (i32, i32) {
    %c0_i32 = arith.constant 0 : i32
    return %arg1, %arg0 : i32, i32
  }
}

</mosaic_0001>

<sc_bundles>
// kernel: kernel.7.cloned.1.call-start
scs
__scs_entry_jumppad:
0x0: {  	(pc) =	sbr.rel $0x88, $3  }
0x1: {  	(tag) =	ssettag $0x0;
	lr =	simm.s32 $0x1  }
0x2: {  	[smem:$0x3F9D] =	sst lr;
	_ =	strace $0xD0000000  }
0x3: {  	_ = 	snop  }
0x4: {  	_ = 	snop  }
0x5: {  	_ = 	snop  }
0x6: {  	_ = 	snop  }
0x7: {  	_ = 	snop  }
__scs_overlays_trampoline_lowered:
0x8: {  	[smem:$0x3FAC] =	sst s0  }
0x9: {  	[smem:$0x3FAD] =	sst s1  }
0xa: {  	[smem:$0x3FAE] =	sst s2  }
0xb: {  	[smem:$0x3FAF] =	sst s3  }
0xc: {  	[smem:$0x3FB0] =	sst s4  }
0xd: {  	[smem:$0x3FB1] =	sst s5  }
0xe: {  	[smem:$0x3FB2] =	sst s6  }
0xf: {  	[smem:$0x3FB3] =	sst s7  }
0x10: {  	[smem:$0x3FB4] =	sst s8  }
0x11: {  	[smem:$0x3FB5] =	sst s9;
	s0 =	simm.s32 @!p0 $0x0  }
0x12: {  	s1 =	sld [smem:$0x3F9B];
	s0 =	simm.s32 @p0 $0x1  }
0x13: {  	[smem:$0x3FB6] =	sst s0;
	s0 =	simm.s32 @!p1 $0x0  }
0x14: {  	s2 =	sld [smem:$0x3F9A];
	s0 =	simm.s32 @p1 $0x1  }
0x15: {  	[smem:$0x3FB7] =	sst s0;
	s0 =	simm.s32 @!p2 $0x0  }
0x16: {  	s3 =	sld [smem:$0x3FDB];
	s0 =	simm.s32 @p2 $0x1  }
0x17: {  	s4 =	simm.s32 $0x1BF5;
	[smem:$0x3FB9] =	sst s0  }
0x18: {  	s0 =	sld [smem:$0x3F9C];
	_ =	swait.ge [sflag:s4], $0x0  }
0x19: {  	s7 =	sld [smem:$0x3F9D]  }
0x1a: {  	s8 =	sadd.s32 $0xFFFFE003, lr  }
0x1b: {  	s9 =	sadd.s32 $0xFFFFFEF7, lr;
	s5 =	simm.s32 $0xFFFFFFFF;
	p2 =	slt.u32 s8, $0xFFFFF086  }
0x1c: {  	p1 =	slt.u32 s9, $0xF7A;
	s5 =	simm.s32 @!p2 $0x0  }
0x1d: {  	s5 =	simm.s32 @p1 $0x1;
	p0 =	seq.s32 s7, s2  }
0x1e: {  	s7 =	smul.u32 @!p0 $0xF7A, s2;
	p2 =	seq.s32 @!p0 s5, $0x0  }
0x1f: {  	s9 =	smul.u32 $0xF7A, s1;
	s8 =	simm.s32 @!p0 $0x1BF5;
	p2 =	por !p2, p0  }
0x20: {  	[sflag:s8] =	ssyncset.s32 @!p0 $0xFFFFF086;
	s6 =	sadd.s32 @!p0 s3, s7;
	s7 =	simm.s32 @!p0 $0x108  }
0x21: {  	s3 =	sadd.s32 s3, s9;
	s6 =	sadd.s32 @!p0 $0x88, s6;
	s7 =	simm.s32 @p2 $0x1082  }
0x22: {  	[simem:s7], [sflag:s8] =	dma.local @!p0 [hbm:s6], $0xF7A  }
0x23: {  	s9 =	sor.u32 $0xD0000000, s2;
	s6 =	simm.s32 $0x108;
	_ =	swait.ge @!p0 [sflag:s8], $0x0  }
0x24: {  	s3 =	sadd.s32 $0x88, s3;
	s6 =	simm.s32 @!p1 $0x1082;
	[sflag:s4] =	ssyncset.s32 $0xFFFFF086  }
0x25: {  	[simem:s6], [sflag:s4] =	dma.local [hbm:s3], $0xF7A  }
0x26: {  	[smem:$0x3F9D] =	sst s1;
	(tag) =	ssettag s2;
	_ =	strace s9  }
0x27: {  	s1 =	sld [smem:$0x3FAD]  }
0x28: {  	s2 =	sld [smem:$0x3FAE]  }
0x29: {  	s4 =	sld [smem:$0x3FB0]  }
0x2a: {  	p0 =	seq.s32 s5, $0x0;
	s5 =	sld [smem:$0x3FB1]  }
0x2b: {  	s6 =	sld [smem:$0x3FB2]  }
0x2c: {  	s7 =	sld [smem:$0x3FB3]  }
0x2d: {  	s3 =	simm.s32 $0x108;
	s8 =	sld [smem:$0x3FB4]  }
0x2e: {  	s3 =	simm.s32 @!p0 $0x1082;
	s9 =	sld [smem:$0x3FB5]  }
0x2f: {  	lr =	sadd.s32 s0, s3;
	s0 =	sld [smem:$0x3FAC]  }
0x30: {  	s3 =	sld [smem:$0x3FAF]  }
0x31: {  	[smem:$0x3FB8] =	sst s10  }
0x32: {  	s10 =	sld [smem:$0x3FB6];
	_ =	sdelay $0x3  }
0x33: {  	p0 =	seq.s32 s10, $0x1;
	s10 =	sld [smem:$0x3FB8];
	_ =	sdelay $0x3  }
0x34: {  	[smem:$0x3FB8] =	sst s10  }
0x35: {  	s10 =	sld [smem:$0x3FB7];
	_ =	sdelay $0x3  }
0x36: {  	p1 =	seq.s32 s10, $0x1;
	s10 =	sld [smem:$0x3FB8];
	_ =	sdelay $0x3  }
0x37: {  	[smem:$0x3FB8] =	sst s10  }
0x38: {  	s10 =	sld [smem:$0x3FB9]  }
0x39: {  	_ = 	snop;
	(pc) =	sbr.ind lr, $3  }
0x3a: {  	_ = 	snop  }
0x3b: {  	_ = 	snop  }
0x3c: {  	p2 =	seq.s32 s10, $0x1;
	s10 =	sld [smem:$0x3FB8]  }
0x3d: {  	_ =	shalt  }
0x3e: {  	_ =	shalt  }
0x3f: {  	_ =	shalt  }
0x40: {  	_ =	shalt  }
0x41: {  	_ =	shalt  }
0x42: {  	_ =	shalt  }
0x43: {  	_ =	shalt  }
0x44: {  	_ =	shalt  }
0x45: {  	_ =	shalt  }
0x46: {  	_ =	shalt  }
0x47: {  	_ =	shalt  }
0x48: {  	_ =	shalt  }
0x49: {  	_ =	shalt  }
0x4a: {  	_ =	shalt  }
0x4b: {  	_ =	shalt  }
0x4c: {  	_ =	shalt  }
0x4d: {  	_ =	shalt  }
0x4e: {  	_ =	shalt  }
0x4f: {  	_ =	shalt  }
0x50: {  	_ =	shalt  }
0x51: {  	_ =	shalt  }
0x52: {  	_ =	shalt  }
0x53: {  	_ =	shalt  }
0x54: {  	_ =	shalt  }
0x55: {  	_ =	shalt  }
0x56: {  	_ =	shalt  }
0x57: {  	_ =	shalt  }
0x58: {  	_ =	shalt  }
0x59: {  	_ =	shalt  }
0x5a: {  	_ =	shalt  }
0x5b: {  	_ =	shalt  }
0x5c: {  	_ =	shalt  }
0x5d: {  	_ =	shalt  }
0x5e: {  	_ =	shalt  }
0x5f: {  	_ =	shalt  }
0x60: {  	_ =	shalt  }
0x61: {  	_ =	shalt  }
0x62: {  	_ =	shalt  }
0x63: {  	_ =	shalt  }
0x64: {  	_ =	shalt  }
0x65: {  	_ =	shalt  }
0x66: {  	_ =	shalt  }
0x67: {  	_ =	shalt  }
0x68: {  	_ =	shalt  }
0x69: {  	_ =	shalt  }
0x6a: {  	_ =	shalt  }
0x6b: {  	_ =	shalt  }
0x6c: {  	_ =	shalt  }
0x6d: {  	_ =	shalt  }
0x6e: {  	_ =	shalt  }
0x6f: {  	_ =	shalt  }
0x70: {  	_ =	shalt  }
0x71: {  	_ =	shalt  }
0x72: {  	_ =	shalt  }
0x73: {  	_ =	shalt  }
0x74: {  	_ =	shalt  }
0x75: {  	_ =	shalt  }
0x76: {  	_ =	shalt  }
0x77: {  	_ =	shalt  }
0x78: {  	_ =	shalt  }
0x79: {  	_ =	shalt  }
0x7a: {  	_ =	shalt  }
0x7b: {  	_ =	shalt  }
0x7c: {  	_ =	shalt  }
0x7d: {  	_ =	shalt  }
0x7e: {  	_ =	shalt  }
0x7f: {  	_ =	shalt  }
0x80: {  	_ =	shalt  }
0x81: {  	_ =	shalt  }
0x82: {  	_ =	shalt  }
0x83: {  	_ =	shalt  }
0x84: {  	_ =	shalt  }
0x85: {  	_ =	shalt  }
0x86: {  	_ =	shalt  }
0x87: {  	_ =	shalt  }
.Lfunc_end0:
.L_simem_size_0:
called_computation_lowered:
.L_overlay_start_0:
0x88: {  	s2 =	sld [smem:$0x3FD9]  }
0x89: {  	s3 =	sld [smem:$0x3FFE];
	_ =	sdelay $0x1  }
0x8a: {  	s1 =	srdreg.scid  }
0x8b: {  	s0 =	sand.u32 $0x1, s1  }
0x8c: {  	s17 =	sshll.u32 s0, $0xA;
	s2 =	sadd.s32 s3, s2  }
0x8d: {  	s2 =	sadd.s32 s2, s17  }
0x8e: {  	[smem:$0x3FC4] =	sst s2  }
0x8f: {  	_ = 	snop  }
0x90: {  	s2 =	sld [smem:$0x3FD0];
	(tm) =	ssettm $0x1  }
0x91: {  	s18 =	sld [smem:$0x3FFB];
	_ =	sdelay $0x3  }
0x92: {  	_ =	strace s18  }
0x93: {  	s3 =	sld [smem:$0x3FFC];
	_ =	sdelay $0x3  }
0x94: {  	_ =	strace s3  }
0x95: {  	s3 =	sld [smem:$0x3FFD];
	_ =	sdelay $0x3  }
0x96: {  	_ =	strace s3  }
0x97: {  	_ =	strace $0x8FFFFFFF  }
0x98: {  	s19 =	sld [smem:$0x3FDB];
	_ =	sdelay $0x1  }
0x99: {  	s4 =	simm.s32 $_scs_section_size  }
0x9a: {  	s5 =	simm.s32 $_size__tile_overlayer_lowered;
	s6 =	simm.s32 $_tile_overlayer_lowered  }
0x9b: {  	s22 =	simm.s32 $0x1BFF;
	s21 =	sshll.u32 s6, $0x1;
	s3 =	sadd.s32 s4, s19  }
0x9c: {  	s7 =	simm.s32 $0x0;
	s20 =	sshll.u32 s5, $0x1;
	s5 =	sadd.s32 s21, s3  }
0x9d: {  	[timem:s7], [sflag:s22] =	dma.local [hbm:s5], s20  }
0x9e: {  	_ =	swait.ge [sflag:s22], s20  }
0x9f: {  	s4 =	ssub.s32 $0x0, s20;
	[sflag:s22] =	ssyncset.done $0x0  }
0xa0: {  	[sflag:s22] =	ssyncadd.s32 s4;
	_ =	sdelay $0x1  }
0xa1: {  	s23 =	simm.s32 $0x1B8B  }
0xa2: {  	_ =	swait.ge [sflag:s23], $0x1  }
0xa3: {  	[sflag:s23] =	ssyncset.done $0x0  }
0xa4: {  	s25 =	simm.s32 $0x1B8E;
	s24 =	sld [smem:$0x3FFE];
	[sflag:s23] =	ssyncadd.s32 $0xFFFFFFFF  }
0xa5: {  	s26 =	simm.s32 $execute0_lowered;
	[smem:$0x3FD2] =	sst s25  }
0xa6: {  	s5 =	sshll.u32 s26, $0x1;
	_ =	strace $0x80000046;
	[dreg:$0x1] =	wrdreg $0xFFFFFFFF  }
0xa7: {  	s28 =	simm.s32 $_size_execute0_lowered;
	s3 =	sadd.s32 s3, s5;
	[dreg:$0x0] =	wrdreg $0x0  }
0xa8: {  	s5 =	sshll.u32 s28, $0x1;
	[dreg:$0x2] =	wrdreg s3  }
0xa9: {  	[dreg:$0x3] =	wrdreg s5  }
0xaa: {  	[dreg:$0x4] =	wrdreg $0xC0  }
0xab: {  	_ =	task [dreg:s7], $0x5FFFF  }
0xac: {  	[dreg:$0x1] =	wrdreg $0xFFFFFFFF  }
0xad: {  	[dreg:$0x0] =	wrdreg $0x60  }
0xae: {  	[dreg:$0x2] =	wrdreg s24  }
0xaf: {  	[dreg:$0x3] =	wrdreg s2  }
0xb0: {  	[dreg:$0x4] =	wrdreg $0x9  }
0xb1: {  	_ =	task.clear_ibuf [dreg:s7], $0x5FFFF;
	_ =	strace $0x90000046  }
0xb2: {  	s29 =	simm.s32 $0x9;
	_ =	strace $0x80000048  }
0xb3: {  	_ =	swait.ge [sflag:s29], $0x1  }
0xb4: {  	[sflag:s29] =	ssyncadd.s32 $0xFFFFFFFF  }
0xb5: {  	_ =	strace $0x90000048  }
0xb6: {  	_ =	sfence  }
0xb7: {  	s30 =	sld [smem:$0x0];
	_ =	sdelay $0x2  }
0xb8: {  	s31 =	sshll.u32 s1, $0xD;
	s1 =	sshrl.u32 s1, $0x2  }
0xb9: {  	s3 =	sand.u32 $0x4000, s31;
	s1 =	sadd.s32 s1, s30  }
0xba: {  	s0 =	sor.u32 s3, s0;
	s1 =	sshll.u32 s1, $0x11  }
0xbb: {  	s0 =	sor.u32 s1, s0  }
0xbc: {  	s0 =	sadd.s32 $0x8F2B, s0  }
0xbd: {  	[sflag:s0] =	ssyncadd.remote.s32 $0x1  }
0xbe: {  	_ =	sfence.sel $0xFFFF  }
0xbf: {  	[dreg:$0x0] =	wrdreg $0xFFFFFFFF;
	(pc) =	sbr.abs _section_cstart, $3  }
0xc0: {  	[dreg:$0x1] =	wrdreg $0xFFFFFFFF  }
0xc1: {  	_ =	task.clear_ibuf [dreg:s7], $0x2FFFF;
	_ =	strace $0x9FFFFFFF  }
0xc2: {  	(tm) =	ssettm $0x7FFFFFFF  }
0xc3: {  	_ =	shalt  }
tec
execute0_lowered:
.L_overlay_start_1:
0x0: {  	(tag) =	ssettag $0x1  }
0x1: {  	s0 =	rddreg [dreg:$0x0]  }
0x2: {  	s1 =	rddreg [dreg:$0x1];
	s2 =	simm.s32 $0x0;
	s3 =	srdreg.scid  }
0x3: {  	s4 =	stileid.u32;
	s16 =	simm.s32 $0x2;
	s20 =	simm.s32 $0xA880  }
0x4: {  	s21 =	simm.s32 $0xB080;
	s22 =	simm.s32 $0xB880;
	s14 =	simm.s32 $0xD080  }
0x5: {  	s15 =	simm.s32 $0xE080;
	s28 =	simm.s32 $0xF880;
	s29 =	simm.s32 $0x1  }
0x6: {  	s30 =	simm.s32 $0x10080;
	s31 =	simm.s32 $0x0;
	[smem:$0x7FF] =	sst s2  }
0x7: {  	s3 =	sand.u32 $0x1, s3;
	s4 =	sshll.u32 s4, $0x1;
	s8 =	sadd.s32 $0x600, s0  }
0x8: {  	s9 =	sadd.s32 $0x700, s0;
	s10 =	sadd.s32 $0x800, s0;
	s11 =	sadd.s32 $0x900, s0  }
0x9: {  	_ =	strace $0x80000047;
	s5 =	ssub.s32 $0x2, s3;
	s4 =	sor.u32 s3, s4  }
0xa: {  	s3 =	sadd.s32 $0x200, s0;
	s6 =	sshrl.u32 s5, $0x1;
	s7 =	sshll.u32 s4, $0x3  }
0xb: {  	s13 =	sshll.u32 s4, $0x5;
	s4 =	sshll.u32 s4, $0xD;
	s12 =	ssub.s32 s5, s6  }
0xc: {  	s23 =	sadd.s32 s0, s7;
	s5 =	sadd.s32 $0x300, s0;
	s6 =	sadd.s32 $0x400, s0  }
0xd: {  	s13 =	sor.u32 $0x10, s13;
	s4 =	sadd.s32 s1, s4;
	[dreg:$0x3] =	wrdreg s23  }
0xe: {  	s7 =	sadd.s32 $0x500, s0;
	[dreg:$0x4] =	wrdreg s4;
	s24 =	sshrl.u32 s13, $0x2  }
0xf: {  	s13 =	sshll.u32 s13, $0x8;
	s26 =	smax.u32 s12, $0x1;
	s23 =	simm.s32 $0xC880  }
0x10: {  	v2 =	vlaneseq.u32;
	s0 =	sadd.s32 s0, s24;
	s25 =	sadd.s32 s1, s13;
	[dreg:$0x7] =	wrdreg s26  }
0x11: {  	vm0 =	vmmov $0xffff;
	v1 =	vshrl.u32 v2, $0x3;
	s13 =	simm.s32 $0xC080;
	s24 =	simm.s32 $0xD880;
	[dreg:$0x5] =	wrdreg s0  }
0x12: {  	v0 =	vand.u32 $0x7, v2;
	v2 =	vor.u32 $0x8, v2;
	v1 =	vmul.u32 $0x8, v1;
	s26 =	simm.s32 $0xF080;
	[dreg:$0x6] =	wrdreg s25;
	s25 =	simm.s32 $0xE880  }
.LBB2_1:
0x13: {  	s0 =	rddreg [dreg:$0x3]  }
0x14: {  	[tilespmem:s2], [sflag:$0x2] =	stream.linear.gather [hbm4b:s0+s2], $0x20, $0x38;
	[tilespmem:$0x18080] =	vst v63  }
0x15: {  	_ =	swait.ge [sflag:s16], $0x20  }
0x16: {  	[sflag:s16] =	ssyncset.done $0x0  }
0x17: {  	[sflag:s16] =	ssyncadd.s32 $0xFFFFFFE0  }
0x18: {  	v3 =	vld [tilespmem:$0x0];
	_ =	sdelay $0x4  }
0x19: {  	v4 =	vshll.u32 v3, $0x4  }
0x1a: {  	v3 =	vand.u32 $0x7, v3;
	v4 =	vand.u32 $0xFFFFFF80, v4  }
0x1b: {  	v3 =	vor.u32 v3, v4  }
0x1c: {  	v4 =	vperm.xlane v3, v0;
	_ =	sdelay $0x1  }
0x1d: {  	v4 =	vadd.s32 v1, v4;
	_ =	sdelay $0x3  }
0x1e: {  	s4 =	simm.s32 $0x80  }
0x1f: {  	[tilespmem:s4], [sflag:$0x1] =	stream.indirect_vreg.gather [hbm4b:s3+s2], $0x80, v4, vm0, $0xb8;
	[tilespmem:$0x18080] =	vst v63  }
0x20: {  	s12 =	simm.s32 $0x880  }
0x21: {  	[tilespmem:s12], [sflag:$0x1] =	stream.indirect_vreg.gather [hbm4b:s5+s2], $0x80, v4, vm0, $0xb8;
	[tilespmem:$0x18080] =	vst v63  }
0x22: {  	s17 =	simm.s32 $0x1080  }
0x23: {  	[tilespmem:s17], [sflag:$0x1] =	stream.indirect_vreg.gather [hbm4b:s6+s2], $0x80, v4, vm0, $0xb8;
	[tilespmem:$0x18080] =	vst v63  }
0x24: {  	s18 =	simm.s32 $0x1880  }
0x25: {  	[tilespmem:s18], [sflag:$0x1] =	stream.indirect_vreg.gather [hbm4b:s7+s2], $0x80, v4, vm0, $0xb8;
	[tilespmem:$0x18080] =	vst v63  }
0x26: {  	s19 =	simm.s32 $0x2080  }
0x27: {  	[tilespmem:s19], [sflag:$0x1] =	stream.indirect_vreg.gather [hbm4b:s8+s2], $0x80, v4, vm0, $0xb8;
	[tilespmem:$0x18080] =	vst v63  }
0x28: {  	s1 =	simm.s32 $0x2880;
	v3 =	vperm.xlane v3, v2  }
0x29: {  	[tilespmem:s1], [sflag:$0x1] =	stream.indirect_vreg.gather [hbm4b:s9+s2], $0x80, v4, vm0, $0xb8;
	[tilespmem:$0x18080] =	vst v63  }
0x2a: {  	v3 =	vadd.s32 v1, v3;
	s4 =	simm.s32 $0x3080  }
0x2b: {  	[tilespmem:s4], [sflag:$0x1] =	stream.indirect_vreg.gather [hbm4b:s10+s2], $0x80, v4, vm0, $0xb8;
	[tilespmem:$0x18080] =	vst v63  }
0x2c: {  	s12 =	simm.s32 $0x3880  }
0x2d: {  	[tilespmem:s12], [sflag:$0x1] =	stream.indirect_vreg.gather [hbm4b:s11+s2], $0x80, v4, vm0, $0xb8;
	[tilespmem:$0x18080] =	vst v63  }
0x2e: {  	s17 =	simm.s32 $0x4080  }
0x2f: {  	[tilespmem:s17], [sflag:$0x1] =	stream.indirect_vreg.gather [hbm4b:s3+s2], $0x80, v3, vm0, $0xb8;
	[tilespmem:$0x18080] =	vst v63  }
0x30: {  	s18 =	simm.s32 $0x4880  }
0x31: {  	[tilespmem:s18], [sflag:$0x1] =	stream.indirect_vreg.gather [hbm4b:s5+s2], $0x80, v3, vm0, $0xb8;
	[tilespmem:$0x18080] =	vst v63  }
0x32: {  	s19 =	simm.s32 $0x5080  }
0x33: {  	[tilespmem:s19], [sflag:$0x1] =	stream.indirect_vreg.gather [hbm4b:s6+s2], $0x80, v3, vm0, $0xb8;
	[tilespmem:$0x18080] =	vst v63  }
0x34: {  	s1 =	simm.s32 $0x5880  }
0x35: {  	[tilespmem:s1], [sflag:$0x1] =	stream.indirect_vreg.gather [hbm4b:s7+s2], $0x80, v3, vm0, $0xb8;
	[tilespmem:$0x18080] =	vst v63  }
0x36: {  	s4 =	simm.s32 $0x6080  }
0x37: {  	[tilespmem:s4], [sflag:$0x1] =	stream.indirect_vreg.gather [hbm4b:s8+s2], $0x80, v3, vm0, $0xb8;
	[tilespmem:$0x18080] =	vst v63  }
0x38: {  	s12 =	simm.s32 $0x6880  }
0x39: {  	[tilespmem:s12], [sflag:$0x1] =	stream.indirect_vreg.gather [hbm4b:s9+s2], $0x80, v3, vm0, $0xb8;
	[tilespmem:$0x18080] =	vst v63  }
0x3a: {  	s17 =	simm.s32 $0x7080  }
0x3b: {  	[tilespmem:s17], [sflag:$0x1] =	stream.indirect_vreg.gather [hbm4b:s10+s2], $0x80, v3, vm0, $0xb8;
	[tilespmem:$0x18080] =	vst v63  }
0x3c: {  	s18 =	simm.s32 $0x7880  }
0x3d: {  	[tilespmem:s18], [sflag:$0x1] =	stream.indirect_vreg.gather [hbm4b:s11+s2], $0x80, v3, vm0, $0xb8;
	[tilespmem:$0x18080] =	vst v63  }
0x3e: {  	v3 =	vld [tilespmem:$0x10];
	_ =	sdelay $0x4  }
0x3f: {  	v4 =	vshll.u32 v3, $0x4  }
0x40: {  	v3 =	vand.u32 $0x7, v3;
	v4 =	vand.u32 $0xFFFFFF80, v4  }
0x41: {  	v3 =	vor.u32 v3, v4  }
0x42: {  	v4 =	vperm.xlane v3, v0;
	_ =	sdelay $0x1  }
0x43: {  	v4 =	vadd.s32 v1, v4;
	_ =	sdelay $0x3  }
0x44: {  	s19 =	simm.s32 $0x8080  }
0x45: {  	[tilespmem:s19], [sflag:$0x1] =	stream.indirect_vreg.gather [hbm4b:s3+s2], $0x80, v4, vm0, $0xb8;
	[tilespmem:$0x18080] =	vst v63  }
0x46: {  	s1 =	simm.s32 $0x8880  }
0x47: {  	[tilespmem:s1], [sflag:$0x1] =	stream.indirect_vreg.gather [hbm4b:s5+s2], $0x80, v4, vm0, $0xb8;
	[tilespmem:$0x18080] =	vst v63  }
0x48: {  	s4 =	simm.s32 $0x9080  }
0x49: {  	[tilespmem:s4], [sflag:$0x1] =	stream.indirect_vreg.gather [hbm4b:s6+s2], $0x80, v4, vm0, $0xb8;
	[tilespmem:$0x18080] =	vst v63  }
0x4a: {  	s12 =	simm.s32 $0x9880  }
0x4b: {  	[tilespmem:s12], [sflag:$0x1] =	stream.indirect_vreg.gather [hbm4b:s7+s2], $0x80, v4, vm0, $0xb8;
	[tilespmem:$0x18080] =	vst v63  }
0x4c: {  	s17 =	simm.s32 $0xA080  }
0x4d: {  	[tilespmem:s17], [sflag:$0x1] =	stream.indirect_vreg.gather [hbm4b:s8+s2], $0x80, v4, vm0, $0xb8;
	[tilespmem:$0x18080] =	vst v63  }
0x4e: {  	v3 =	vperm.xlane v3, v2  }
0x4f: {  	[tilespmem:s20], [sflag:$0x1] =	stream.indirect_vreg.gather [hbm4b:s9+s2], $0x80, v4, vm0, $0xb8;
	[tilespmem:$0x18080] =	vst v63  }
0x50: {  	v3 =	vadd.s32 v1, v3  }
0x51: {  	[tilespmem:s21], [sflag:$0x1] =	stream.indirect_vreg.gather [hbm4b:s10+s2], $0x80, v4, vm0, $0xb8;
	[tilespmem:$0x18080] =	vst v63  }
0x52: {  	_ = 	snop  }
0x53: {  	[tilespmem:s22], [sflag:$0x1] =	stream.indirect_vreg.gather [hbm4b:s11+s2], $0x80, v4, vm0, $0xb8;
	[tilespmem:$0x18080] =	vst v63  }
0x54: {  	_ = 	snop  }
0x55: {  	[tilespmem:s13], [sflag:$0x1] =	stream.indirect_vreg.gather [hbm4b:s3+s2], $0x80, v3, vm0, $0xb8;
	[tilespmem:$0x18080] =	vst v63  }
0x56: {  	_ = 	snop  }
0x57: {  	[tilespmem:s23], [sflag:$0x1] =	stream.indirect_vreg.gather [hbm4b:s5+s2], $0x80, v3, vm0, $0xb8;
	[tilespmem:$0x18080] =	vst v63  }
0x58: {  	_ = 	snop  }
0x59: {  	[tilespmem:s14], [sflag:$0x1] =	stream.indirect_vreg.gather [hbm4b:s6+s2], $0x80, v3, vm0, $0xb8;
	[tilespmem:$0x18080] =	vst v63  }
0x5a: {  	_ = 	snop  }
0x5b: {  	[tilespmem:s24], [sflag:$0x1] =	stream.indirect_vreg.gather [hbm4b:s7+s2], $0x80, v3, vm0, $0xb8;
	[tilespmem:$0x18080] =	vst v63  }
0x5c: {  	_ = 	snop  }
0x5d: {  	[tilespmem:s15], [sflag:$0x1] =	stream.indirect_vreg.gather [hbm4b:s8+s2], $0x80, v3, vm0, $0xb8;
	[tilespmem:$0x18080] =	vst v63  }
0x5e: {  	_ = 	snop  }
0x5f: {  	[tilespmem:s25], [sflag:$0x1] =	stream.indirect_vreg.gather [hbm4b:s9+s2], $0x80, v3, vm0, $0xb8;
	[tilespmem:$0x18080] =	vst v63  }
0x60: {  	_ = 	snop  }
0x61: {  	[tilespmem:s26], [sflag:$0x1] =	stream.indirect_vreg.gather [hbm4b:s10+s2], $0x80, v3, vm0, $0xb8;
	[tilespmem:$0x18080] =	vst v63  }
0x62: {  	_ = 	snop  }
0x63: {  	[tilespmem:s28], [sflag:$0x1] =	stream.indirect_vreg.gather [hbm4b:s11+s2], $0x80, v3, vm0, $0xb8;
	[tilespmem:$0x18080] =	vst v63  }
0x64: {  	_ =	swait.ge [sflag:s29], $0x10000  }
0x65: {  	s18 =	sand.u32 $0x70, s2;
	s1 =	sand.u32 $0x3C00, s2;
	[sflag:s29] =	ssyncset.done $0x0  }
0x66: {  	s0 =	sor.u32 s18, s1;
	[sflag:s29] =	ssyncadd.s32 $0xFFFF0000  }
0x67: {  	v3 =	vld [tilespmem:s0+$0x300]  }
0x68: {  	v4 =	vld [tilespmem:s0+$0x100]  }
0x69: {  	v5 =	vld [tilespmem:s0+$0x180]  }
0x6a: {  	v6 =	vld [tilespmem:s0+$0x280]  }
0x6b: {  	v7 =	vld [tilespmem:s0+$0x200]  }
0x6c: {  	v8 =	vld [tilespmem:s0+$0x80]  }
0x6d: {  	v9 =	vld [tilespmem:s0+$0x380]  }
0x6e: {  	v10 =	vld [tilespmem:s0+$0x4100]  }
0x6f: {  	v11 =	vld [tilespmem:s0+$0x4300];
	v3 =	vadd.f32 v3, v6  }
0x70: {  	s19 =	sand.u32 $0x7, s2;
	v6 =	vld [tilespmem:s0+$0x4200];
	v5 =	vadd.f32 v7, v5  }
0x71: {  	s1 =	sshll.u32 s19, $0x4;
	v4 =	vadd.f32 v4, v8;
	[tilespmem:s0+$0x10180] =	vst v3;
	v3 =	vld [tilespmem:s0+$0x4280]  }
0x72: {  	s1 =	sadd.s32 $0x0, s1;
	[tilespmem:s0+$0x10100] =	vst v5;
	v5 =	vld [tilespmem:s0+$0x4180]  }
0x73: {  	s4 =	sor.u32 $0x380, s1;
	[tilespmem:s0+$0x10080] =	vst v4;
	v4 =	vld [tilespmem:s0+$0x4080]  }
0x74: {  	v7 =	vld [tilespmem:s4+$0x80];
	_ =	sdelay $0x1  }
0x75: {  	v3 =	vadd.f32 v11, v3  }
0x76: {  	v5 =	vadd.f32 v6, v5  }
0x77: {  	v4 =	vadd.f32 v10, v4;
	[tilespmem:s0+$0x10380] =	vst v3  }
0x78: {  	v3 =	vadd.f32 v7, v9;
	[tilespmem:s0+$0x10300] =	vst v5  }
0x79: {  	[tilespmem:s0+$0x10280] =	vst v4  }
0x7a: {  	s18 =	sor.u32 $0x4380, s1;
	[tilespmem:s0+$0x10200] =	vst v3;
	v3 =	vld [tilespmem:s0+$0x4380]  }
0x7b: {  	v4 =	vld [tilespmem:s18+$0x80];
	_ =	sdelay $0x4  }
0x7c: {  	v3 =	vadd.f32 v4, v3;
	_ =	sdelay $0x1  }
0x7d: {  	[tilespmem:s4+$0x10080] =	vst v3  }
0x7e: {  	v3 =	vld [tilespmem:s0+$0xC380]  }
0x7f: {  	v4 =	vld [tilespmem:s0+$0xC400]  }
0x80: {  	s1 =	simm.s32 $0x10;
	s17 =	simm.s32 $0x0;
	s4 =	simm.s32 $0x0;
	v5 =	vld [tilespmem:s0+$0xC300]  }
.LBB2_2:
0x81: {  	p0 =	sne.s32 s1, $0x7F0;
	v6 =	vld [tilespmem:s0+$0xC280];
	s4 =	sadd.s32 $0x80, s4;
	s17 =	sadd.s32 $0x1, s17  }
0x82: {  	s19 =	smov.u32 s1;
	s1 =	sadd.s32 $0x10, s1;
	v7 =	vld [tilespmem:s0+$0xC200]  }
0x83: {  	v8 =	vld [tilespmem:s0+$0xC180]  }
0x84: {  	v9 =	vld [tilespmem:s0+$0xC100]  }
0x85: {  	v10 =	vld [tilespmem:s0+$0xC080]  }
0x86: {  	v11 =	vld [tilespmem:s0+$0x8400];
	v5 =	vadd.f32 v5, v6  }
0x87: {  	v6 =	vld [tilespmem:s0+$0x8380]  }
0x88: {  	v12 =	vld [tilespmem:s0+$0x8300];
	v7 =	vadd.f32 v7, v8;
	[tilespmem:s0+$0x14380] =	vst v5  }
0x89: {  	v5 =	vld [tilespmem:s0+$0x8080]  }
0x8a: {  	v8 =	vld [tilespmem:s0+$0x8280];
	v9 =	vadd.f32 v9, v10;
	[tilespmem:s0+$0x14300] =	vst v7  }
0x8b: {  	v7 =	vld [tilespmem:s0+$0x8200]  }
0x8c: {  	v10 =	vld [tilespmem:s0+$0x8100];
	v6 =	vadd.f32 v11, v6;
	[tilespmem:s0+$0x14280] =	vst v9  }
0x8d: {  	v9 =	vld [tilespmem:s0+$0x8180]  }
0x8e: {  	[tilespmem:s0+$0x14200] =	vst v6  }
0x8f: {  	v6 =	vadd.f32 v12, v8;
	_ =	sdelay $0x1  }
0x90: {  	v3 =	vadd.f32 v4, v3;
	v5 =	vadd.f32 v10, v5;
	[tilespmem:s0+$0x14180] =	vst v6  }
0x91: {  	v4 =	vadd.f32 v7, v9  }
0x92: {  	[tilespmem:s0+$0x14080] =	vst v5  }
0x93: {  	s19 =	sand.u32 $0x70, s19;
	s12 =	sand.u32 $0x3C00, s4;
	[tilespmem:s0+$0x14100] =	vst v4  }
0x94: {  	s0 =	sor.u32 s19, s12;
	[tilespmem:s18+$0x10080] =	vst v3  }
0x95: {  	v3 =	vld [tilespmem:s0+$0x300]  }
0x96: {  	v4 =	vld [tilespmem:s0+$0x100]  }
0x97: {  	v5 =	vld [tilespmem:s0+$0x180]  }
0x98: {  	v6 =	vld [tilespmem:s0+$0x280]  }
0x99: {  	v7 =	vld [tilespmem:s0+$0x200]  }
0x9a: {  	v8 =	vld [tilespmem:s0+$0x80]  }
0x9b: {  	v9 =	vld [tilespmem:s0+$0x380]  }
0x9c: {  	v10 =	vld [tilespmem:s0+$0x4100]  }
0x9d: {  	v3 =	vadd.f32 v3, v6;
	v6 =	vld [tilespmem:s0+$0x4200]  }
0x9e: {  	s12 =	sand.u32 $0x7, s17;
	v5 =	vadd.f32 v7, v5;
	v7 =	vld [tilespmem:s0+$0x4300]  }
0x9f: {  	s12 =	sshll.u32 s12, $0x4;
	v4 =	vadd.f32 v4, v8;
	[tilespmem:s0+$0x10180] =	vst v3;
	v3 =	vld [tilespmem:s0+$0x4280]  }
0xa0: {  	s12 =	sadd.s32 s12, s4;
	[tilespmem:s0+$0x10100] =	vst v5;
	v5 =	vld [tilespmem:s0+$0x4180]  }
0xa1: {  	s19 =	sor.u32 $0x380, s12;
	[tilespmem:s0+$0x10080] =	vst v4;
	v4 =	vld [tilespmem:s0+$0x4080]  }
0xa2: {  	v8 =	vld [tilespmem:s19+$0x80];
	_ =	sdelay $0x1  }
0xa3: {  	v3 =	vadd.f32 v7, v3  }
0xa4: {  	v5 =	vadd.f32 v6, v5  }
0xa5: {  	v4 =	vadd.f32 v10, v4;
	[tilespmem:s0+$0x10380] =	vst v3  }
0xa6: {  	v3 =	vadd.f32 v8, v9;
	[tilespmem:s0+$0x10300] =	vst v5  }
0xa7: {  	[tilespmem:s0+$0x10280] =	vst v4  }
0xa8: {  	s18 =	sor.u32 $0x4380, s12;
	[tilespmem:s0+$0x10200] =	vst v3;
	v3 =	vld [tilespmem:s0+$0x4380]  }
0xa9: {  	v4 =	vld [tilespmem:s18+$0x80];
	_ =	sdelay $0x4  }
0xaa: {  	v3 =	vadd.f32 v4, v3  }
.Ltmp0:
0xab: {  	(pc) =	sbr.rel @p0 .LBB2_2-.Ltmp0, $4  }
0xac: {  	[tilespmem:s19+$0x10080] =	vst v3  }
0xad: {  	v3 =	vld [tilespmem:s0+$0xC380]  }
0xae: {  	v4 =	vld [tilespmem:s0+$0xC400]  }
0xaf: {  	v5 =	vld [tilespmem:s0+$0xC300]  }
0xb0: {  	v6 =	vld [tilespmem:s0+$0xC280]  }
0xb1: {  	v7 =	vld [tilespmem:s0+$0xC200]  }
0xb2: {  	v8 =	vld [tilespmem:s0+$0xC180]  }
0xb3: {  	v9 =	vld [tilespmem:s0+$0xC100]  }
0xb4: {  	v10 =	vld [tilespmem:s0+$0xC080]  }
0xb5: {  	v11 =	vld [tilespmem:s0+$0x8400]  }
0xb6: {  	v12 =	vld [tilespmem:s0+$0x8300];
	v5 =	vadd.f32 v5, v6  }
0xb7: {  	v57 =	vld [tilespmem:s0+$0x8280]  }
0xb8: {  	v58 =	vld [tilespmem:s0+$0x8200];
	[tilespmem:s0+$0x14380] =	vst v5;
	v5 =	vadd.f32 v7, v8  }
0xb9: {  	v6 =	vld [tilespmem:s0+$0x8380]  }
0xba: {  	v59 =	vld [tilespmem:s0+$0x8100];
	[tilespmem:s0+$0x14300] =	vst v5;
	v5 =	vadd.f32 v9, v10  }
0xbb: {  	v7 =	vld [tilespmem:s0+$0x8080]  }
0xbc: {  	[tilespmem:s0+$0x14280] =	vst v5;
	v5 =	vld [tilespmem:s0+$0x8180];
	_ =	sdelay $0x1  }
0xbd: {  	v6 =	vadd.f32 v11, v6  }
0xbe: {  	v8 =	vadd.f32 v12, v57  }
0xbf: {  	[tilespmem:s0+$0x14200] =	vst v6;
	v6 =	vadd.f32 v59, v7  }
0xc0: {  	[tilespmem:s0+$0x14180] =	vst v8;
	v5 =	vadd.f32 v58, v5  }
0xc1: {  	v3 =	vadd.f32 v4, v3;
	[tilespmem:s0+$0x14080] =	vst v6  }
0xc2: {  	[tilespmem:s0+$0x14100] =	vst v5  }
0xc3: {  	s1 =	rddreg [dreg:$0x4];
	s0 =	simm.s32 $0x0;
	[tilespmem:s18+$0x10080] =	vst v3  }
0xc4: {  	[hbm4b:s1+s0] =	stream.linear.scatter [tilespmem:s30], [sflag:$0x2], $0x8000, $0x38;
	[tilespmem:$0x18080] =	vst v63  }
0xc5: {  	_ =	swait.ge [sflag:s16], $0x8000  }
0xc6: {  	[sflag:s16] =	ssyncset.done $0x0  }
0xc7: {  	s12 =	rddreg [dreg:$0x5];
	[sflag:s16] =	ssyncadd.s32 $0xFFFF8000  }
0xc8: {  	[tilespmem:s0], [sflag:$0x2] =	stream.linear.gather [hbm4b:s12+s0], $0x20, $0x38;
	[tilespmem:$0x18080] =	vst v63  }
0xc9: {  	_ =	swait.ge [sflag:s16], $0x20  }
0xca: {  	[sflag:s16] =	ssyncset.done $0x0  }
0xcb: {  	[sflag:s16] =	ssyncadd.s32 $0xFFFFFFE0  }
0xcc: {  	v3 =	vld [tilespmem:$0x0];
	_ =	sdelay $0x4  }
0xcd: {  	v4 =	vshll.u32 v3, $0x4  }
0xce: {  	v3 =	vand.u32 $0x7, v3;
	v4 =	vand.u32 $0xFFFFFF80, v4  }
0xcf: {  	v3 =	vor.u32 v3, v4  }
0xd0: {  	v4 =	vperm.xlane v3, v0;
	_ =	sdelay $0x1  }
0xd1: {  	v4 =	vadd.s32 v1, v4;
	_ =	sdelay $0x3  }
0xd2: {  	s17 =	simm.s32 $0x80  }
0xd3: {  	[tilespmem:s17], [sflag:$0x1] =	stream.indirect_vreg.gather [hbm4b:s3+s0], $0x80, v4, vm0, $0xb8;
	[tilespmem:$0x18080] =	vst v63  }
0xd4: {  	s18 =	simm.s32 $0x880  }
0xd5: {  	[tilespmem:s18], [sflag:$0x1] =	stream.indirect_vreg.gather [hbm4b:s5+s0], $0x80, v4, vm0, $0xb8;
	[tilespmem:$0x18080] =	vst v63  }
0xd6: {  	s19 =	simm.s32 $0x1080  }
0xd7: {  	[tilespmem:s19], [sflag:$0x1] =	stream.indirect_vreg.gather [hbm4b:s6+s0], $0x80, v4, vm0, $0xb8;
	[tilespmem:$0x18080] =	vst v63  }
0xd8: {  	s4 =	simm.s32 $0x1880  }
0xd9: {  	[tilespmem:s4], [sflag:$0x1] =	stream.indirect_vreg.gather [hbm4b:s7+s0], $0x80, v4, vm0, $0xb8;
	[tilespmem:$0x18080] =	vst v63  }
0xda: {  	s12 =	simm.s32 $0x2080  }
0xdb: {  	[tilespmem:s12], [sflag:$0x1] =	stream.indirect_vreg.gather [hbm4b:s8+s0], $0x80, v4, vm0, $0xb8;
	[tilespmem:$0x18080] =	vst v63  }
0xdc: {  	v3 =	vperm.xlane v3, v2;
	s17 =	simm.s32 $0x2880  }
0xdd: {  	[tilespmem:s17], [sflag:$0x1] =	stream.indirect_vreg.gather [hbm4b:s9+s0], $0x80, v4, vm0, $0xb8;
	[tilespmem:$0x18080] =	vst v63  }
0xde: {  	v3 =	vadd.s32 v1, v3;
	s18 =	simm.s32 $0x3080  }
0xdf: {  	[tilespmem:s18], [sflag:$0x1] =	stream.indirect_vreg.gather [hbm4b:s10+s0], $0x80, v4, vm0, $0xb8;
	[tilespmem:$0x18080] =	vst v63  }
0xe0: {  	s19 =	simm.s32 $0x3880  }
0xe1: {  	[tilespmem:s19], [sflag:$0x1] =	stream.indirect_vreg.gather [hbm4b:s11+s0], $0x80, v4, vm0, $0xb8;
	[tilespmem:$0x18080] =	vst v63  }
0xe2: {  	s4 =	simm.s32 $0x4080  }
0xe3: {  	[tilespmem:s4], [sflag:$0x1] =	stream.indirect_vreg.gather [hbm4b:s3+s0], $0x80, v3, vm0, $0xb8;
	[tilespmem:$0x18080] =	vst v63  }
0xe4: {  	s12 =	simm.s32 $0x4880  }
0xe5: {  	[tilespmem:s12], [sflag:$0x1] =	stream.indirect_vreg.gather [hbm4b:s5+s0], $0x80, v3, vm0, $0xb8;
	[tilespmem:$0x18080] =	vst v63  }
0xe6: {  	s17 =	simm.s32 $0x5080  }
0xe7: {  	[tilespmem:s17], [sflag:$0x1] =	stream.indirect_vreg.gather [hbm4b:s6+s0], $0x80, v3, vm0, $0xb8;
	[tilespmem:$0x18080] =	vst v63  }
0xe8: {  	s18 =	simm.s32 $0x5880  }
0xe9: {  	[tilespmem:s18], [sflag:$0x1] =	stream.indirect_vreg.gather [hbm4b:s7+s0], $0x80, v3, vm0, $0xb8;
	[tilespmem:$0x18080] =	vst v63  }
0xea: {  	s19 =	simm.s32 $0x6080  }
0xeb: {  	[tilespmem:s19], [sflag:$0x1] =	stream.indirect_vreg.gather [hbm4b:s8+s0], $0x80, v3, vm0, $0xb8;
	[tilespmem:$0x18080] =	vst v63  }
0xec: {  	s4 =	simm.s32 $0x6880  }
0xed: {  	[tilespmem:s4], [sflag:$0x1] =	stream.indirect_vreg.gather [hbm4b:s9+s0], $0x80, v3, vm0, $0xb8;
	[tilespmem:$0x18080] =	vst v63  }
0xee: {  	s12 =	simm.s32 $0x7080  }
0xef: {  	[tilespmem:s12], [sflag:$0x1] =	stream.indirect_vreg.gather [hbm4b:s10+s0], $0x80, v3, vm0, $0xb8;
	[tilespmem:$0x18080] =	vst v63  }
0xf0: {  	s17 =	simm.s32 $0x7880  }
0xf1: {  	[tilespmem:s17], [sflag:$0x1] =	stream.indirect_vreg.gather [hbm4b:s11+s0], $0x80, v3, vm0, $0xb8;
	[tilespmem:$0x18080] =	vst v63  }
0xf2: {  	v3 =	vld [tilespmem:$0x10];
	_ =	sdelay $0x4  }
0xf3: {  	v4 =	vshll.u32 v3, $0x4  }
0xf4: {  	v3 =	vand.u32 $0x7, v3;
	v4 =	vand.u32 $0xFFFFFF80, v4  }
0xf5: {  	v3 =	vor.u32 v3, v4  }
0xf6: {  	v4 =	vperm.xlane v3, v0;
	_ =	sdelay $0x1  }
0xf7: {  	v4 =	vadd.s32 v1, v4;
	_ =	sdelay $0x3  }
0xf8: {  	s18 =	simm.s32 $0x8080  }
0xf9: {  	[tilespmem:s18], [sflag:$0x1] =	stream.indirect_vreg.gather [hbm4b:s3+s0], $0x80, v4, vm0, $0xb8;
	[tilespmem:$0x18080] =	vst v63  }
0xfa: {  	s19 =	simm.s32 $0x8880  }
0xfb: {  	[tilespmem:s19], [sflag:$0x1] =	stream.indirect_vreg.gather [hbm4b:s5+s0], $0x80, v4, vm0, $0xb8;
	[tilespmem:$0x18080] =	vst v63  }
0xfc: {  	s4 =	simm.s32 $0x9080  }
0xfd: {  	[tilespmem:s4], [sflag:$0x1] =	stream.indirect_vreg.gather [hbm4b:s6+s0], $0x80, v4, vm0, $0xb8;
	[tilespmem:$0x18080] =	vst v63  }
0xfe: {  	s12 =	simm.s32 $0x9880  }
0xff: {  	[tilespmem:s12], [sflag:$0x1] =	stream.indirect_vreg.gather [hbm4b:s7+s0], $0x80, v4, vm0, $0xb8;
	[tilespmem:$0x18080] =	vst v63  }
0x100: {  	s17 =	simm.s32 $0xA080  }
0x101: {  	[tilespmem:s17], [sflag:$0x1] =	stream.indirect_vreg.gather [hbm4b:s8+s0], $0x80, v4, vm0, $0xb8;
	[tilespmem:$0x18080] =	vst v63  }
0x102: {  	v3 =	vperm.xlane v3, v2  }
0x103: {  	[tilespmem:s20], [sflag:$0x1] =	stream.indirect_vreg.gather [hbm4b:s9+s0], $0x80, v4, vm0, $0xb8;
	[tilespmem:$0x18080] =	vst v63  }
0x104: {  	v3 =	vadd.s32 v1, v3  }
0x105: {  	[tilespmem:s21], [sflag:$0x1] =	stream.indirect_vreg.gather [hbm4b:s10+s0], $0x80, v4, vm0, $0xb8;
	[tilespmem:$0x18080] =	vst v63  }
0x106: {  	_ = 	snop  }
0x107: {  	[tilespmem:s22], [sflag:$0x1] =	stream.indirect_vreg.gather [hbm4b:s11+s0], $0x80, v4, vm0, $0xb8;
	[tilespmem:$0x18080] =	vst v63  }
0x108: {  	_ = 	snop  }
0x109: {  	[tilespmem:s13], [sflag:$0x1] =	stream.indirect_vreg.gather [hbm4b:s3+s0], $0x80, v3, vm0, $0xb8;
	[tilespmem:$0x18080] =	vst v63  }
0x10a: {  	_ = 	snop  }
0x10b: {  	[tilespmem:s23], [sflag:$0x1] =	stream.indirect_vreg.gather [hbm4b:s5+s0], $0x80, v3, vm0, $0xb8;
	[tilespmem:$0x18080] =	vst v63  }
0x10c: {  	_ = 	snop  }
0x10d: {  	[tilespmem:s14], [sflag:$0x1] =	stream.indirect_vreg.gather [hbm4b:s6+s0], $0x80, v3, vm0, $0xb8;
	[tilespmem:$0x18080] =	vst v63  }
0x10e: {  	_ = 	snop  }
0x10f: {  	[tilespmem:s24], [sflag:$0x1] =	stream.indirect_vreg.gather [hbm4b:s7+s0], $0x80, v3, vm0, $0xb8;
	[tilespmem:$0x18080] =	vst v63  }
0x110: {  	_ = 	snop  }
0x111: {  	[tilespmem:s15], [sflag:$0x1] =	stream.indirect_vreg.gather [hbm4b:s8+s0], $0x80, v3, vm0, $0xb8;
	[tilespmem:$0x18080] =	vst v63  }
0x112: {  	_ = 	snop  }
0x113: {  	[tilespmem:s25], [sflag:$0x1] =	stream.indirect_vreg.gather [hbm4b:s9+s0], $0x80, v3, vm0, $0xb8;
	[tilespmem:$0x18080] =	vst v63  }
0x114: {  	_ = 	snop  }
0x115: {  	[tilespmem:s26], [sflag:$0x1] =	stream.indirect_vreg.gather [hbm4b:s10+s0], $0x80, v3, vm0, $0xb8;
	[tilespmem:$0x18080] =	vst v63  }
0x116: {  	_ = 	snop  }
0x117: {  	[tilespmem:s28], [sflag:$0x1] =	stream.indirect_vreg.gather [hbm4b:s11+s0], $0x80, v3, vm0, $0xb8;
	[tilespmem:$0x18080] =	vst v63  }
0x118: {  	_ =	swait.ge [sflag:s29], $0x10000  }
0x119: {  	s18 =	sand.u32 $0x70, s0;
	s4 =	sand.u32 $0x3C00, s0;
	[sflag:s29] =	ssyncset.done $0x0  }
0x11a: {  	s1 =	sor.u32 s18, s4;
	[sflag:s29] =	ssyncadd.s32 $0xFFFF0000  }
0x11b: {  	v3 =	vld [tilespmem:s1+$0x300]  }
0x11c: {  	v4 =	vld [tilespmem:s1+$0x100]  }
0x11d: {  	v5 =	vld [tilespmem:s1+$0x180]  }
0x11e: {  	v6 =	vld [tilespmem:s1+$0x280]  }
0x11f: {  	v7 =	vld [tilespmem:s1+$0x200]  }
0x120: {  	v60 =	vld [tilespmem:s1+$0x80]  }
0x121: {  	v61 =	vld [tilespmem:s1+$0x380]  }
0x122: {  	v62 =	vld [tilespmem:s1+$0x4100]  }
0x123: {  	v63 =	vld [tilespmem:s1+$0x4300];
	v3 =	vadd.f32 v3, v6  }
0x124: {  	s19 =	sand.u32 $0x7, s0;
	v6 =	vld [tilespmem:s1+$0x4200];
	v5 =	vadd.f32 v7, v5  }
0x125: {  	s4 =	sshll.u32 s19, $0x4;
	v4 =	vadd.f32 v4, v60;
	[tilespmem:s1+$0x10180] =	vst v3;
	v3 =	vld [tilespmem:s1+$0x4280]  }
0x126: {  	s4 =	sadd.s32 $0x0, s4;
	[tilespmem:s1+$0x10100] =	vst v5;
	v5 =	vld [tilespmem:s1+$0x4180]  }
0x127: {  	s12 =	sor.u32 $0x380, s4;
	[tilespmem:s1+$0x10080] =	vst v4;
	v4 =	vld [tilespmem:s1+$0x4080]  }
0x128: {  	v7 =	vld [tilespmem:s12+$0x80];
	_ =	sdelay $0x1  }
0x129: {  	v3 =	vadd.f32 v63, v3  }
0x12a: {  	v5 =	vadd.f32 v6, v5  }
0x12b: {  	v4 =	vadd.f32 v62, v4;
	[tilespmem:s1+$0x10380] =	vst v3  }
0x12c: {  	v3 =	vadd.f32 v7, v61;
	[tilespmem:s1+$0x10300] =	vst v5  }
0x12d: {  	[tilespmem:s1+$0x10280] =	vst v4  }
0x12e: {  	s18 =	sor.u32 $0x4380, s4;
	[tilespmem:s1+$0x10200] =	vst v3;
	v3 =	vld [tilespmem:s1+$0x4380]  }
0x12f: {  	v4 =	vld [tilespmem:s18+$0x80];
	_ =	sdelay $0x4  }
0x130: {  	v3 =	vadd.f32 v4, v3;
	_ =	sdelay $0x1  }
0x131: {  	[tilespmem:s12+$0x10080] =	vst v3  }
0x132: {  	v3 =	vld [tilespmem:s1+$0xC380]  }
0x133: {  	v4 =	vld [tilespmem:s1+$0xC400]  }
0x134: {  	s4 =	simm.s32 $0x10;
	s17 =	simm.s32 $0x0;
	v5 =	vld [tilespmem:s1+$0xC300]  }
.LBB2_4:
0x135: {  	p0 =	sne.s32 s4, $0x7F0;
	v6 =	vld [tilespmem:s1+$0xC280];
	s0 =	sadd.s32 $0x80, s0;
	s17 =	sadd.s32 $0x1, s17  }
0x136: {  	s12 =	smov.u32 s4;
	s4 =	sadd.s32 $0x10, s4;
	v7 =	vld [tilespmem:s1+$0xC200]  }
0x137: {  	v8 =	vld [tilespmem:s1+$0xC180]  }
0x138: {  	v9 =	vld [tilespmem:s1+$0xC100]  }
0x139: {  	v10 =	vld [tilespmem:s1+$0xC080]  }
0x13a: {  	v11 =	vld [tilespmem:s1+$0x8400];
	v5 =	vadd.f32 v5, v6  }
0x13b: {  	v6 =	vld [tilespmem:s1+$0x8380]  }
0x13c: {  	v12 =	vld [tilespmem:s1+$0x8300];
	v7 =	vadd.f32 v7, v8;
	[tilespmem:s1+$0x14380] =	vst v5  }
0x13d: {  	v5 =	vld [tilespmem:s1+$0x8080]  }
0x13e: {  	v8 =	vld [tilespmem:s1+$0x8280];
	v9 =	vadd.f32 v9, v10;
	[tilespmem:s1+$0x14300] =	vst v7  }
0x13f: {  	v7 =	vld [tilespmem:s1+$0x8200]  }
0x140: {  	v10 =	vld [tilespmem:s1+$0x8100];
	v6 =	vadd.f32 v11, v6;
	[tilespmem:s1+$0x14280] =	vst v9  }
0x141: {  	v9 =	vld [tilespmem:s1+$0x8180]  }
0x142: {  	[tilespmem:s1+$0x14200] =	vst v6  }
0x143: {  	v6 =	vadd.f32 v12, v8;
	_ =	sdelay $0x1  }
0x144: {  	v3 =	vadd.f32 v4, v3;
	v5 =	vadd.f32 v10, v5;
	[tilespmem:s1+$0x14180] =	vst v6  }
0x145: {  	v4 =	vadd.f32 v7, v9  }
0x146: {  	[tilespmem:s1+$0x14080] =	vst v5  }
0x147: {  	s12 =	sand.u32 $0x70, s12;
	s19 =	sand.u32 $0x3C00, s0;
	[tilespmem:s1+$0x14100] =	vst v4  }
0x148: {  	s1 =	sor.u32 s12, s19;
	[tilespmem:s18+$0x10080] =	vst v3  }
0x149: {  	v3 =	vld [tilespmem:s1+$0x300]  }
0x14a: {  	v4 =	vld [tilespmem:s1+$0x100]  }
0x14b: {  	v5 =	vld [tilespmem:s1+$0x180]  }
0x14c: {  	v6 =	vld [tilespmem:s1+$0x280]  }
0x14d: {  	v7 =	vld [tilespmem:s1+$0x200]  }
0x14e: {  	v8 =	vld [tilespmem:s1+$0x80]  }
0x14f: {  	v9 =	vld [tilespmem:s1+$0x380]  }
0x150: {  	v10 =	vld [tilespmem:s1+$0x4100]  }
0x151: {  	v3 =	vadd.f32 v3, v6;
	v6 =	vld [tilespmem:s1+$0x4200]  }
0x152: {  	s12 =	sand.u32 $0x7, s17;
	v5 =	vadd.f32 v7, v5;
	v7 =	vld [tilespmem:s1+$0x4300]  }
0x153: {  	s12 =	sshll.u32 s12, $0x4;
	v4 =	vadd.f32 v4, v8;
	[tilespmem:s1+$0x10180] =	vst v3;
	v3 =	vld [tilespmem:s1+$0x4280]  }
0x154: {  	s12 =	sadd.s32 s12, s0;
	[tilespmem:s1+$0x10100] =	vst v5;
	v5 =	vld [tilespmem:s1+$0x4180]  }
0x155: {  	s19 =	sor.u32 $0x380, s12;
	[tilespmem:s1+$0x10080] =	vst v4;
	v4 =	vld [tilespmem:s1+$0x4080]  }
0x156: {  	v8 =	vld [tilespmem:s19+$0x80];
	_ =	sdelay $0x1  }
0x157: {  	v3 =	vadd.f32 v7, v3  }
0x158: {  	v5 =	vadd.f32 v6, v5  }
0x159: {  	v4 =	vadd.f32 v10, v4;
	[tilespmem:s1+$0x10380] =	vst v3  }
0x15a: {  	v3 =	vadd.f32 v8, v9;
	[tilespmem:s1+$0x10300] =	vst v5  }
0x15b: {  	[tilespmem:s1+$0x10280] =	vst v4  }
0x15c: {  	s18 =	sor.u32 $0x4380, s12;
	[tilespmem:s1+$0x10200] =	vst v3;
	v3 =	vld [tilespmem:s1+$0x4380]  }
0x15d: {  	v4 =	vld [tilespmem:s18+$0x80];
	_ =	sdelay $0x4  }
0x15e: {  	v3 =	vadd.f32 v4, v3  }
.Ltmp1:
0x15f: {  	(pc) =	sbr.rel @p0 .LBB2_4-.Ltmp1, $4  }
0x160: {  	[tilespmem:s19+$0x10080] =	vst v3  }
0x161: {  	v3 =	vld [tilespmem:s1+$0xC380]  }
0x162: {  	v4 =	vld [tilespmem:s1+$0xC400]  }
0x163: {  	v5 =	vld [tilespmem:s1+$0xC300]  }
0x164: {  	v6 =	vld [tilespmem:s1+$0xC280]  }
0x165: {  	v7 =	vld [tilespmem:s1+$0xC200]  }
0x166: {  	v8 =	vld [tilespmem:s1+$0xC180]  }
0x167: {  	v9 =	vld [tilespmem:s1+$0xC100]  }
0x168: {  	v10 =	vld [tilespmem:s1+$0xC080]  }
0x169: {  	v11 =	vld [tilespmem:s1+$0x8400]  }
0x16a: {  	v55 =	vld [tilespmem:s1+$0x8380]  }
0x16b: {  	v12 =	vld [tilespmem:s1+$0x8300]  }
0x16c: {  	v57 =	vld [tilespmem:s1+$0x8080]  }
0x16d: {  	v58 =	vld [tilespmem:s1+$0x8280]  }
0x16e: {  	v60 =	vld [tilespmem:s1+$0x8200]  }
0x16f: {  	v61 =	vld [tilespmem:s1+$0x8100];
	v5 =	vadd.f32 v5, v6  }
0x170: {  	v62 =	vld [tilespmem:s1+$0x8180];
	v56 =	vadd.f32 v7, v8  }
0x171: {  	v59 =	vadd.f32 v9, v10;
	[tilespmem:s1+$0x14380] =	vst v5  }
0x172: {  	v6 =	vadd.f32 v11, v55;
	[tilespmem:s1+$0x14300] =	vst v56  }
0x173: {  	v8 =	vadd.f32 v12, v58;
	[tilespmem:s1+$0x14280] =	vst v59  }
0x174: {  	v63 =	vadd.f32 v61, v57;
	[tilespmem:s1+$0x14200] =	vst v6  }
0x175: {  	[tilespmem:s1+$0x14180] =	vst v8;
	v5 =	vadd.f32 v60, v62  }
0x176: {  	v3 =	vadd.f32 v4, v3;
	[tilespmem:s1+$0x14080] =	vst v63  }
0x177: {  	[tilespmem:s1+$0x14100] =	vst v5  }
0x178: {  	s0 =	rddreg [dreg:$0x6];
	[tilespmem:s18+$0x10080] =	vst v3  }
0x179: {  	[hbm4b:s0+s2] =	stream.linear.scatter [tilespmem:s30], [sflag:$0x2], $0x8000, $0x38;
	[tilespmem:$0x18080] =	vst v63  }
0x17a: {  	_ =	swait.ge [sflag:s16], $0x8000  }
0x17b: {  	s31 =	sadd.s32 $0x1, s31;
	s19 =	rddreg [dreg:$0x7]  }
0x17c: {  	p0 =	sne.s32 s31, s19  }
.Ltmp2:
0x17d: {  	_ = 	snop;
	(pc) =	sbr.rel @p0 .LBB2_1-.Ltmp2, $3  }
0x17e: {  	_ =	sdelay $0x1  }
0x17f: {  	[sflag:s16] =	ssyncset.done $0x0  }
0x180: {  	[sflag:s16] =	ssyncadd.s32 $0xFFFF8000  }
0x181: {  	_ =	sfence.sel $0x180000  }
0x182: {  	[bflag:$0x0] =	sbarrier.arrive $0xFFFF  }
0x183: {  	_ =	strace $0x90000047  }
0x184: {  	s0 =	stileid.u32;
	[bflag:$0x2] =	sbarrier.arrive $0xFFFF  }
0x185: {  	p0 =	sne.s32 s0, $0x0;
	s0 =	rddreg [dreg:$0x2]  }
0x186: {  	s0 =	sadd.s32 @!p0 $0x100000, s0  }
0x187: {  	[sflag:s0] =	ssyncadd.tile.s32 @!p0 $0x1;
	_ =	shalt  }
.Lfunc_end2:
_tile_overlayer_lowered:
.L_overlay_start_2:
0x188: {  	(tag) =	ssettag $0x2  }
0x189: {  	s0 =	rddreg [dreg:$0x0];
	s2 =	stileid.u32  }
0x18a: {  	s1 =	rddreg [dreg:$0x1];
	p0 =	sne.s32 s2, $0x0  }
0x18b: {  	s3 =	rddreg [dreg:$0x2];
	[bflag:$0x3] =	sbarrier.arrive $0xFFFF;
	s2 =	simm.s32 @!p0 $0x1C02  }
0x18c: {  	[timem:s3], [sflag:s2] =	dma.local @!p0 [hbm:s0], s1  }
0x18d: {  	s0 =	simm.s32 @!p0 $0x2  }
0x18e: {  	_ =	swait.ge @!p0 [sflag:s0], s1  }
0x18f: {  	s1 =	ssub.s32 @!p0 $0x0, s1;
	[sflag:s0] =	ssyncset.done @!p0 $0x0  }
0x190: {  	[sflag:s0] =	ssyncadd.s32 @!p0 s1  }
0x191: {  	[bflag:$0x3] =	sbarrier.arrive $0xFFFF  }
0x192: {  	_ =	shalt  }

</sc_bundles>
